<compile_context>
chip_gen: v7x
topology: tpu7x:2x2x1
jax: 0.10.2.dev20260603
libtpu: 0.0.44.dev20260713+nightly
codegen_flags: <defaults>
</compile_context>

<pallas_src>
import functools

import jax
import jax.numpy as jnp
from jax import lax
from jax.experimental import pallas as pl
from jax.experimental.pallas import tpu as pltpu
from jax.experimental.pallas import tpu_sc as plsc

N = 100000
NPAD = 100352
E = 3200000
CH = 128
EPAD = 3276800
ROWS = EPAD // CH
NC = 2
NS = 16
NW = NC * NS
ROWS_PER_W = ROWS // NW
RB = 10
SLICE = NPAD // NS
WCH = SLICE // 32
NCH = 32

_mesh = plsc.VectorSubcoreMesh(core_axis_name="c", subcore_axis_name="s")
_sc_params = pltpu.CompilerParams(use_tc_tiling_on_sc=False)

C0_RPT = 1200
C1_RPT = 400


def _my_rows():
    c = lax.axis_index("c")
    s = lax.axis_index("s")
    is0 = c == 0
    base = jnp.where(is0, s * C0_RPT, NS * C0_RPT + s * C1_RPT)
    niter = jnp.where(is0, C0_RPT // RB, C1_RPT // RB)
    return base, niter


@functools.partial(
    pl.kernel,
    out_type=jax.ShapeDtypeStruct((NC, NPAD), jnp.float32),
    mesh=_mesh,
    scratch_types=[
        pltpu.VMEM((RB * CH,), jnp.int32),
        pltpu.VMEM((RB * CH,), jnp.float32),
        pltpu.VMEM((SLICE,), jnp.float32),
        pltpu.VMEM_SHARED((NPAD,), jnp.float32),
        pltpu.SemaphoreType.DMA,
    ],
    compiler_params=_sc_params,
)
def _sc_deg(dst1d, ones_h, zeros_h, out, dstbuf, ones_v, stage, acc, sem):
    c = lax.axis_index("c")
    s = lax.axis_index("s")
    pltpu.sync_copy(ones_h, ones_v)
    my = pl.ds(s * SLICE, SLICE)
    pltpu.sync_copy(zeros_h, stage)
    pltpu.sync_copy(stage, acc.at[my])
    plsc.subcore_barrier()
    wbase, niter = _my_rows()

    def body(i, carry):
        e0 = (wbase + i * RB) * CH
        pltpu.sync_copy(dst1d.at[pl.ds(e0, RB * CH)], dstbuf)
        pltpu.async_copy(ones_v, acc.at[dstbuf], sem, add=True).wait()
        return carry

    lax.fori_loop(0, niter, body, 0)
    plsc.subcore_barrier()
    pltpu.sync_copy(acc.at[my], stage)
    pltpu.sync_copy(stage, out.at[c, my])


def _make_sc_agg(D):
    @functools.partial(
        pl.kernel,
        out_type=jax.ShapeDtypeStruct((NC, NPAD, D), jnp.float32),
        mesh=_mesh,
        scratch_types=[
            pltpu.VMEM((RB * CH,), jnp.int32),
            pltpu.VMEM((RB * CH,), jnp.int32),
            pltpu.VMEM((RB * CH, D), jnp.float32),
            pltpu.VMEM_SHARED((NPAD, D), jnp.float32),
            pltpu.SemaphoreType.DMA,
            pltpu.SemaphoreType.DMA,
        ],
        compiler_params=_sc_params,
    )
    def _sc_agg(table, src1d, dst1d, zeros_h, out,
                srcbuf, dstbuf, rows_v, acc, sem, sem2):
        c = lax.axis_index("c")
        s = lax.axis_index("s")
        B = RB * CH
        TAIL = SLICE - 4 * B
        pltpu.sync_copy(zeros_h, rows_v)
        for k in range(4):
            pltpu.sync_copy(rows_v, acc.at[pl.ds(s * SLICE + k * B, B), :])
        pltpu.sync_copy(rows_v.at[pl.ds(0, TAIL), :],
                        acc.at[pl.ds(s * SLICE + 4 * B, TAIL), :])
        plsc.subcore_barrier()
        wbase, niter = _my_rows()

        def body(i, carry):
            e0 = (wbase + i * RB) * CH
            pltpu.sync_copy(src1d.at[pl.ds(e0, RB * CH)], srcbuf)
            pltpu.sync_copy(dst1d.at[pl.ds(e0, RB * CH)], dstbuf)
            pltpu.async_copy(table.at[srcbuf], rows_v, sem).wait()
            pltpu.async_copy(rows_v, acc.at[dstbuf], sem2, add=True).wait()
            return carry

        lax.fori_loop(0, niter, body, 0)
        plsc.subcore_barrier()
        for k in range(4):
            ch = pl.ds(s * SLICE + k * B, B)
            pltpu.sync_copy(acc.at[ch, :], rows_v)
            pltpu.sync_copy(rows_v, out.at[c, ch, :])
        cht = pl.ds(s * SLICE + 4 * B, TAIL)
        pltpu.sync_copy(acc.at[cht, :], rows_v.at[pl.ds(0, TAIL), :])
        pltpu.sync_copy(rows_v.at[pl.ds(0, TAIL), :], out.at[c, cht, :])

    return _sc_agg


_sc_agg16 = _make_sc_agg(16)
_sc_agg8 = _make_sc_agg(8)

BLK = 6272
GRID = NPAD // BLK


def _tc_prep_body(degp_ref, x_ref, u1_ref):
    i = pl.program_id(0)
    deg = degp_ref[:, 0:1] + degp_ref[:, 1:2] + 1.0
    dinv = lax.rsqrt(deg)
    row = lax.broadcasted_iota(jnp.int32, (BLK, 1), 0) + i * BLK
    dinv = jnp.where(row < N, dinv, 0.0)
    col = lax.broadcasted_iota(jnp.int32, (BLK, 16), 1)
    u1_ref[...] = jnp.where(col == 15, dinv, dinv * x_ref[...])


def _tc_prep(degp_t, xp):
    return pl.pallas_call(
        _tc_prep_body,
        grid=(GRID,),
        in_specs=[
            pl.BlockSpec((BLK, 2), lambda i: (i, 0)),
            pl.BlockSpec((BLK, 16), lambda i: (i, 0)),
        ],
        out_specs=pl.BlockSpec((BLK, 16), lambda i: (i, 0)),
        out_shape=jax.ShapeDtypeStruct((NPAD, 16), jnp.float32),
    )(degp_t, xp)


def _tc_mid_body(s1_ref, u1_ref, W1_ref, b1_ref, W2_ref, u2_ref):
    u1 = u1_ref[...]
    dinv = u1[:, 15:16]
    t = dinv * (s1_ref[0] + s1_ref[1] + u1)
    h = jnp.dot(t, W1_ref[...], preferred_element_type=jnp.float32)
    h = jnp.maximum(h + b1_ref[...], 0.0)
    p = jnp.dot(h, W2_ref[...], preferred_element_type=jnp.float32)
    col = lax.broadcasted_iota(jnp.int32, (BLK, 8), 1)
    u2_ref[...] = jnp.where(col == 2, dinv, dinv * p)


def _tc_mid(s1p, u1, W1p, b1r, W2p):
    return pl.pallas_call(
        _tc_mid_body,
        grid=(GRID,),
        in_specs=[
            pl.BlockSpec((2, BLK, 16), lambda i: (0, i, 0)),
            pl.BlockSpec((BLK, 16), lambda i: (i, 0)),
            pl.BlockSpec((16, 35), lambda i: (0, 0)),
            pl.BlockSpec((1, 35), lambda i: (0, 0)),
            pl.BlockSpec((35, 8), lambda i: (0, 0)),
        ],
        out_specs=pl.BlockSpec((BLK, 8), lambda i: (i, 0)),
        out_shape=jax.ShapeDtypeStruct((NPAD, 8), jnp.float32),
    )(s1p, u1, W1p, b1r, W2p)


BLK2 = 5000
GRID2 = N // BLK2


def _tc_final_body(s2_ref, u2_ref, b2_ref, out_ref):
    u2 = u2_ref[...]
    dinv = u2[:, 2:3]
    z8 = dinv * (s2_ref[0] + s2_ref[1] + u2)
    z = z8[:, 0:2] + b2_ref[...]
    m = jnp.max(z, axis=1, keepdims=True)
    e = jnp.exp(z - m)
    lse = jnp.log(jnp.sum(e, axis=1, keepdims=True)) + m
    out_ref[...] = z - lse


def _tc_final(s2p, u2, b2r):
    return pl.pallas_call(
        _tc_final_body,
        grid=(GRID2,),
        in_specs=[
            pl.BlockSpec((2, BLK2, 8), lambda i: (0, i, 0)),
            pl.BlockSpec((BLK2, 8), lambda i: (i, 0)),
            pl.BlockSpec((1, 2), lambda i: (0, 0)),
        ],
        out_specs=pl.BlockSpec((BLK2, 2), lambda i: (i, 0)),
        out_shape=jax.ShapeDtypeStruct((N, 2), jnp.float32),
    )(s2p, u2, b2r)


def kernel(x, edge_index, W1, b1, W2, b2):
    pad = jnp.full((EPAD - E,), N, jnp.int32)
    src1d = jnp.concatenate([edge_index[0], pad])
    dst1d = jnp.concatenate([edge_index[1], pad])
    xp = jnp.zeros((NPAD, 16), jnp.float32).at[:N, :10].set(x)
    ones_h = jnp.ones((RB * CH,), jnp.float32)
    z1 = jnp.zeros((SLICE,), jnp.float32)
    z16 = jnp.zeros((RB * CH, 16), jnp.float32)
    z8 = jnp.zeros((RB * CH, 8), jnp.float32)
    W1p = jnp.zeros((16, 35), jnp.float32).at[:10].set(W1)
    W2p = jnp.zeros((35, 8), jnp.float32).at[:, :2].set(W2)
    b1r = b1.reshape(1, 35)
    b2r = b2.reshape(1, 2)

    degp = _sc_deg(dst1d, ones_h, z1)
    u1 = _tc_prep(degp.T, xp)
    s1p = _sc_agg16(u1, src1d, dst1d, z16)
    u2 = _tc_mid(s1p, u1, W1p, b1r, W2p)
    s2p = _sc_agg8(u2, src1d, dst1d, z8)
    return _tc_final(s2p, u2, b2r)

# --- scband reference (transcript-rebuilt; emitter-appended) ---
"""Pipeline reference for scband-method-gcn-4131758539006 (READ-ONLY COPY).

The authoritative reference and input builder live on the scoring server;
editing this copy changes nothing except your own understanding.
"""

import jax, jax.numpy as jnp
import numpy as np

N_NODES = 100000
N_EDGES = 3200000
IN_DIM = 10
HIDDEN = 35
OUT_DIM = 2


def glorot(key, fan_in, fan_out):
    limit = float(np.sqrt(6.0 / (fan_in + fan_out)))
    return jax.random.uniform(key, (fan_in, fan_out), dtype=jnp.float32, minval=-limit, maxval=limit)


def setup_inputs(seed: int = 0) -> dict:
    key = jax.random.key(seed)
    k1, k2, k3, k4 = jax.random.split(key, 4)
    x = jax.random.normal(k1, (N_NODES, IN_DIM), dtype=jnp.float32)
    edge_index = jax.random.randint(k2, (2, N_EDGES), 0, N_NODES, dtype=jnp.int32)
    W1 = glorot(k3, IN_DIM, HIDDEN)
    b1 = jnp.zeros((HIDDEN,), dtype=jnp.float32)
    W2 = glorot(k4, HIDDEN, OUT_DIM)
    b2 = jnp.zeros((OUT_DIM,), dtype=jnp.float32)
    return {"x": x, "edge_index": edge_index, "W1": W1, "b1": b1, "W2": W2, "b2": b2}


def gcn_conv(x, edge_index, W, b):
    # Faithful GCNConv: add self-loops, symmetric deg^-1/2 normalization,
    # linear transform, scatter-add aggregation, bias.
    N = x.shape[0]
    src = edge_index[0]
    dst = edge_index[1]
    loop = jnp.arange(N, dtype=src.dtype)
    src = jnp.concatenate([src, loop])
    dst = jnp.concatenate([dst, loop])
    h = x @ W
    ones = jnp.ones(src.shape[0], dtype=h.dtype)
    deg = jax.ops.segment_sum(ones, dst, num_segments=N)
    deg_inv_sqrt = jnp.where(deg > 0, deg ** -0.5, 0.0)
    norm = deg_inv_sqrt[src] * deg_inv_sqrt[dst]
    msg = h[src] * norm[:, None]
    out = jax.ops.segment_sum(msg, dst, num_segments=N)
    return out + b


def reference(x, edge_index, W1, b1, W2, b2):
    h = gcn_conv(x, edge_index, W1, b1)
    h = jax.nn.relu(h)
    # F.dropout with training=False is identity (eval-mode forward)
    h = gcn_conv(h, edge_index, W2, b2)
    return jax.nn.log_softmax(h, axis=1)

if __name__ == "__main__":
    import jax
    _d = setup_inputs()
    print(jax.jit(kernel)(*tuple(_d.values())))

</pallas_src>

<mosaic_0001>
#map = affine_map<(d0, d1) -> (0)>
#map1 = affine_map<(d0, d1) -> (0, 0)>
module attributes {stable_mosaic.version = 14 : i64} {
  func.func @_sc_deg(%arg0: i32, %arg1: i32, %arg2: memref<3276800xi32, #tpu.memory_space<hbm>>, %arg3: memref<1280xf32, #tpu.memory_space<hbm>>, %arg4: memref<6272xf32, #tpu.memory_space<hbm>>, %arg5: memref<2x100352xf32, #tpu.memory_space<hbm>>, %arg6: memref<1280xi32, #tpu.memory_space<vmem>>, %arg7: memref<1280xf32, #tpu.memory_space<vmem>>, %arg8: memref<6272xf32, #tpu.memory_space<vmem>>, %arg9: memref<100352xf32, #tpu.memory_space<vmem_shared>>, %arg10: memref<!tpu.dma_semaphore, #tpu.memory_space<semaphore_mem>>) attributes {dimension_semantics = [#tpu.dimension_semantics<core_parallel>, #tpu.dimension_semantics<subcore_parallel>], iteration_bounds = array<i64: 2, 16>, scalar_prefetch = 0 : i64, scratch_operands = 5 : i64, tpu.core_type = #tpu.core_type<sc_vector_subcore>, window_params = [{transform_indices = #map}, {transform_indices = #map}, {transform_indices = #map}, {transform_indices = #map1}]} {
    "tpu.region"() ({
      %run_scoped3A = tpu.sem_alloc : memref<!tpu.dma_semaphore, #tpu.memory_space<semaphore_mem>>
      tpu.enqueue_dma source(%arg3 : memref<1280xf32, #tpu.memory_space<hbm>>) target(%arg7 : memref<1280xf32, #tpu.memory_space<vmem>>) target_semaphore(%run_scoped3A : memref<!tpu.dma_semaphore, #tpu.memory_space<semaphore_mem>>)
      tpu.wait_dma2 semaphore(%run_scoped3A : memref<!tpu.dma_semaphore, #tpu.memory_space<semaphore_mem>>) src(%arg3 : memref<1280xf32, #tpu.memory_space<hbm>>) dst(%arg7 : memref<1280xf32, #tpu.memory_space<vmem>>)
      tpu.yield
    }) : () -> ()
    %mul3A = arith.constant 6272 : i32
    %mul3A_0 = arith.muli %arg1, %mul3A : i32
    "tpu.region"() ({
      %run_scoped3A = tpu.sem_alloc : memref<!tpu.dma_semaphore, #tpu.memory_space<semaphore_mem>>
      tpu.enqueue_dma source(%arg4 : memref<6272xf32, #tpu.memory_space<hbm>>) target(%arg8 : memref<6272xf32, #tpu.memory_space<vmem>>) target_semaphore(%run_scoped3A : memref<!tpu.dma_semaphore, #tpu.memory_space<semaphore_mem>>)
      tpu.wait_dma2 semaphore(%run_scoped3A : memref<!tpu.dma_semaphore, #tpu.memory_space<semaphore_mem>>) src(%arg4 : memref<6272xf32, #tpu.memory_space<hbm>>) dst(%arg8 : memref<6272xf32, #tpu.memory_space<vmem>>)
      tpu.yield
    }) : () -> ()
    "tpu.region"() ({
      %run_scoped3A = tpu.sem_alloc : memref<!tpu.dma_semaphore, #tpu.memory_space<semaphore_mem>>
      %dma_start3A = tpu.memref_slice %arg9[%mul3A_0] : memref<100352xf32, #tpu.memory_space<vmem_shared>> -> memref<6272xf32, #tpu.memory_space<vmem_shared>>
      %dma_start3A_19 = tpu.memref_slice %arg9[%mul3A_0] : memref<100352xf32, #tpu.memory_space<vmem_shared>> -> memref<6272xf32, #tpu.memory_space<vmem_shared>>
      tpu.enqueue_dma source(%arg8 : memref<6272xf32, #tpu.memory_space<vmem>>) target(%dma_start3A_19 : memref<6272xf32, #tpu.memory_space<vmem_shared>>) target_semaphore(%run_scoped3A : memref<!tpu.dma_semaphore, #tpu.memory_space<semaphore_mem>>)
      %dma_wait3A = tpu.memref_slice %arg9[%mul3A_0] : memref<100352xf32, #tpu.memory_space<vmem_shared>> -> memref<6272xf32, #tpu.memory_space<vmem_shared>>
      %dma_wait3A_20 = tpu.memref_slice %arg9[%mul3A_0] : memref<100352xf32, #tpu.memory_space<vmem_shared>> -> memref<6272xf32, #tpu.memory_space<vmem_shared>>
      tpu.wait_dma2 semaphore(%run_scoped3A : memref<!tpu.dma_semaphore, #tpu.memory_space<semaphore_mem>>) src(%arg8 : memref<6272xf32, #tpu.memory_space<vmem>>) dst(%dma_wait3A_20 : memref<6272xf32, #tpu.memory_space<vmem_shared>>)
      tpu.yield
    }) : () -> ()
    %barrier3A = arith.constant 0 : index
    tpu.barrier barrier_id(%barrier3A)
    %eq3A = arith.constant 0 : i32
    %eq3A_1 = arith.cmpi eq, %arg0, %eq3A : i32
    %mul3A_2 = arith.constant 1200 : i32
    %mul3A_3 = arith.muli %arg1, %mul3A_2 : i32
    %mul3A_4 = arith.constant 400 : i32
    %mul3A_5 = arith.muli %arg1, %mul3A_4 : i32
    %add3A = arith.constant 19200 : i32
    %add3A_6 = arith.addi %add3A, %mul3A_5 : i32
    %select_n3A = arith.select %eq3A_1, %mul3A_3, %add3A_6 : i32
    %jit3A = arith.constant 120 : i32
    %jit3A_7 = arith.constant 40 : i32
    %select_n3A_8 = arith.select %eq3A_1, %jit3A, %jit3A_7 : i32
    %while3A = arith.constant 0 : i32
    %while3A_9 = arith.constant 0 : i32
    %while3A_10 = arith.subi %select_n3A_8, %while3A_9 : i32
    %while3A_11 = arith.addi %while3A_9, %while3A_10 : i32
    %while3A_12 = arith.constant 1 : i32
    %while3A_13 = arith.divsi %while3A_10, %while3A_12 : i32
    %while3A_14 = arith.muli %while3A_13, %while3A_12 : i32
    %while3A_15 = arith.addi %while3A_9, %while3A_14 : i32
    %while3A_16 = arith.constant 1 : i32
    scf.for %while3A_19 = %while3A_9 to %while3A_15 step %while3A_16  : i32 {
      %mul3A_20 = arith.constant 10 : i32
      %mul3A_21 = arith.muli %while3A_19, %mul3A_20 : i32
      %add3A_22 = arith.addi %select_n3A, %mul3A_21 : i32
      %mul3A_23 = arith.constant 128 : i32
      %mul3A_24 = arith.muli %add3A_22, %mul3A_23 : i32
      "tpu.region"() ({
        %run_scoped3A = tpu.sem_alloc : memref<!tpu.dma_semaphore, #tpu.memory_space<semaphore_mem>>
        %dma_start3A_27 = tpu.memref_slice %arg2[%mul3A_24] : memref<3276800xi32, #tpu.memory_space<hbm>> -> memref<1280xi32, #tpu.memory_space<hbm>>
        %dma_start3A_28 = tpu.memref_slice %arg2[%mul3A_24] : memref<3276800xi32, #tpu.memory_space<hbm>> -> memref<1280xi32, #tpu.memory_space<hbm>>
        tpu.enqueue_dma source(%dma_start3A_28 : memref<1280xi32, #tpu.memory_space<hbm>>) target(%arg6 : memref<1280xi32, #tpu.memory_space<vmem>>) target_semaphore(%run_scoped3A : memref<!tpu.dma_semaphore, #tpu.memory_space<semaphore_mem>>)
        %dma_wait3A_29 = tpu.memref_slice %arg2[%mul3A_24] : memref<3276800xi32, #tpu.memory_space<hbm>> -> memref<1280xi32, #tpu.memory_space<hbm>>
        %dma_wait3A_30 = tpu.memref_slice %arg2[%mul3A_24] : memref<3276800xi32, #tpu.memory_space<hbm>> -> memref<1280xi32, #tpu.memory_space<hbm>>
        tpu.wait_dma2 semaphore(%run_scoped3A : memref<!tpu.dma_semaphore, #tpu.memory_space<semaphore_mem>>) src(%dma_wait3A_30 : memref<1280xi32, #tpu.memory_space<hbm>>) dst(%arg6 : memref<1280xi32, #tpu.memory_space<vmem>>)
        tpu.yield
      }) : () -> ()
      %dma_start3A = arith.constant 0 : i32
      %dma_start3A_25 = tpu.memref_slice %arg9[%dma_start3A] : memref<100352xf32, #tpu.memory_space<vmem_shared>> -> memref<100352xf32, #tpu.memory_space<vmem_shared>>
      tpu.enqueue_indirect_dma source(%arg7 : memref<1280xf32, #tpu.memory_space<vmem>>) target(%dma_start3A_25 : memref<100352xf32, #tpu.memory_space<vmem_shared>>) offsets(%arg6 : memref<1280xi32, #tpu.memory_space<vmem>>) semaphore(%arg10 : memref<!tpu.dma_semaphore, #tpu.memory_space<semaphore_mem>>) {add = true}
      %dma_wait3A = arith.constant 0 : i32
      %dma_wait3A_26 = tpu.memref_slice %arg9[%dma_wait3A] : memref<100352xf32, #tpu.memory_space<vmem_shared>> -> memref<100352xf32, #tpu.memory_space<vmem_shared>>
      tpu.wait_indirect_dma semaphore(%arg10 : memref<!tpu.dma_semaphore, #tpu.memory_space<semaphore_mem>>) src(%arg7 : memref<1280xf32, #tpu.memory_space<vmem>>) dst(%dma_wait3A_26 : memref<100352xf32, #tpu.memory_space<vmem_shared>>)
    }
    %while3A_17 = arith.constant 1 : i32
    scf.for %while3A_19 = %while3A_15 to %while3A_11 step %while3A_17  : i32 {
      %mul3A_20 = arith.constant 10 : i32
      %mul3A_21 = arith.muli %while3A_19, %mul3A_20 : i32
      %add3A_22 = arith.addi %select_n3A, %mul3A_21 : i32
      %mul3A_23 = arith.constant 128 : i32
      %mul3A_24 = arith.muli %add3A_22, %mul3A_23 : i32
      "tpu.region"() ({
        %run_scoped3A = tpu.sem_alloc : memref<!tpu.dma_semaphore, #tpu.memory_space<semaphore_mem>>
        %dma_start3A_27 = tpu.memref_slice %arg2[%mul3A_24] : memref<3276800xi32, #tpu.memory_space<hbm>> -> memref<1280xi32, #tpu.memory_space<hbm>>
        %dma_start3A_28 = tpu.memref_slice %arg2[%mul3A_24] : memref<3276800xi32, #tpu.memory_space<hbm>> -> memref<1280xi32, #tpu.memory_space<hbm>>
        tpu.enqueue_dma source(%dma_start3A_28 : memref<1280xi32, #tpu.memory_space<hbm>>) target(%arg6 : memref<1280xi32, #tpu.memory_space<vmem>>) target_semaphore(%run_scoped3A : memref<!tpu.dma_semaphore, #tpu.memory_space<semaphore_mem>>)
        %dma_wait3A_29 = tpu.memref_slice %arg2[%mul3A_24] : memref<3276800xi32, #tpu.memory_space<hbm>> -> memref<1280xi32, #tpu.memory_space<hbm>>
        %dma_wait3A_30 = tpu.memref_slice %arg2[%mul3A_24] : memref<3276800xi32, #tpu.memory_space<hbm>> -> memref<1280xi32, #tpu.memory_space<hbm>>
        tpu.wait_dma2 semaphore(%run_scoped3A : memref<!tpu.dma_semaphore, #tpu.memory_space<semaphore_mem>>) src(%dma_wait3A_30 : memref<1280xi32, #tpu.memory_space<hbm>>) dst(%arg6 : memref<1280xi32, #tpu.memory_space<vmem>>)
        tpu.yield
      }) : () -> ()
      %dma_start3A = arith.constant 0 : i32
      %dma_start3A_25 = tpu.memref_slice %arg9[%dma_start3A] : memref<100352xf32, #tpu.memory_space<vmem_shared>> -> memref<100352xf32, #tpu.memory_space<vmem_shared>>
      tpu.enqueue_indirect_dma source(%arg7 : memref<1280xf32, #tpu.memory_space<vmem>>) target(%dma_start3A_25 : memref<100352xf32, #tpu.memory_space<vmem_shared>>) offsets(%arg6 : memref<1280xi32, #tpu.memory_space<vmem>>) semaphore(%arg10 : memref<!tpu.dma_semaphore, #tpu.memory_space<semaphore_mem>>) {add = true}
      %dma_wait3A = arith.constant 0 : i32
      %dma_wait3A_26 = tpu.memref_slice %arg9[%dma_wait3A] : memref<100352xf32, #tpu.memory_space<vmem_shared>> -> memref<100352xf32, #tpu.memory_space<vmem_shared>>
      tpu.wait_indirect_dma semaphore(%arg10 : memref<!tpu.dma_semaphore, #tpu.memory_space<semaphore_mem>>) src(%arg7 : memref<1280xf32, #tpu.memory_space<vmem>>) dst(%dma_wait3A_26 : memref<100352xf32, #tpu.memory_space<vmem_shared>>)
    }
    %barrier3A_18 = arith.constant 0 : index
    tpu.barrier barrier_id(%barrier3A_18)
    "tpu.region"() ({
      %run_scoped3A = tpu.sem_alloc : memref<!tpu.dma_semaphore, #tpu.memory_space<semaphore_mem>>
      %dma_start3A = tpu.memref_slice %arg9[%mul3A_0] : memref<100352xf32, #tpu.memory_space<vmem_shared>> -> memref<6272xf32, #tpu.memory_space<vmem_shared>>
      %dma_start3A_19 = tpu.memref_slice %arg9[%mul3A_0] : memref<100352xf32, #tpu.memory_space<vmem_shared>> -> memref<6272xf32, #tpu.memory_space<vmem_shared>>
      tpu.enqueue_dma source(%dma_start3A_19 : memref<6272xf32, #tpu.memory_space<vmem_shared>>) target(%arg8 : memref<6272xf32, #tpu.memory_space<vmem>>) target_semaphore(%run_scoped3A : memref<!tpu.dma_semaphore, #tpu.memory_space<semaphore_mem>>)
      %dma_wait3A = tpu.memref_slice %arg9[%mul3A_0] : memref<100352xf32, #tpu.memory_space<vmem_shared>> -> memref<6272xf32, #tpu.memory_space<vmem_shared>>
      %dma_wait3A_20 = tpu.memref_slice %arg9[%mul3A_0] : memref<100352xf32, #tpu.memory_space<vmem_shared>> -> memref<6272xf32, #tpu.memory_space<vmem_shared>>
      tpu.wait_dma2 semaphore(%run_scoped3A : memref<!tpu.dma_semaphore, #tpu.memory_space<semaphore_mem>>) src(%dma_wait3A_20 : memref<6272xf32, #tpu.memory_space<vmem_shared>>) dst(%arg8 : memref<6272xf32, #tpu.memory_space<vmem>>)
      tpu.yield
    }) : () -> ()
    "tpu.region"() ({
      %run_scoped3A = tpu.sem_alloc : memref<!tpu.dma_semaphore, #tpu.memory_space<semaphore_mem>>
      %dma_start3A = tpu.memref_slice %arg5[%arg0, %mul3A_0] : memref<2x100352xf32, #tpu.memory_space<hbm>> -> memref<1x6272xf32, #tpu.memory_space<hbm>>
      %dma_start3A_19 = tpu.memref_squeeze %dma_start3A : memref<1x6272xf32, #tpu.memory_space<hbm>> -> memref<6272xf32, #tpu.memory_space<hbm>>
      %dma_start3A_20 = tpu.memref_slice %arg5[%arg0, %mul3A_0] : memref<2x100352xf32, #tpu.memory_space<hbm>> -> memref<1x6272xf32, #tpu.memory_space<hbm>>
      %dma_start3A_21 = tpu.memref_squeeze %dma_start3A_20 : memref<1x6272xf32, #tpu.memory_space<hbm>> -> memref<6272xf32, #tpu.memory_space<hbm>>
      tpu.enqueue_dma source(%arg8 : memref<6272xf32, #tpu.memory_space<vmem>>) target(%dma_start3A_21 : memref<6272xf32, #tpu.memory_space<hbm>>) target_semaphore(%run_scoped3A : memref<!tpu.dma_semaphore, #tpu.memory_space<semaphore_mem>>)
      %dma_wait3A = tpu.memref_slice %arg5[%arg0, %mul3A_0] : memref<2x100352xf32, #tpu.memory_space<hbm>> -> memref<1x6272xf32, #tpu.memory_space<hbm>>
      %dma_wait3A_22 = tpu.memref_squeeze %dma_wait3A : memref<1x6272xf32, #tpu.memory_space<hbm>> -> memref<6272xf32, #tpu.memory_space<hbm>>
      %dma_wait3A_23 = tpu.memref_slice %arg5[%arg0, %mul3A_0] : memref<2x100352xf32, #tpu.memory_space<hbm>> -> memref<1x6272xf32, #tpu.memory_space<hbm>>
      %dma_wait3A_24 = tpu.memref_squeeze %dma_wait3A_23 : memref<1x6272xf32, #tpu.memory_space<hbm>> -> memref<6272xf32, #tpu.memory_space<hbm>>
      tpu.wait_dma2 semaphore(%run_scoped3A : memref<!tpu.dma_semaphore, #tpu.memory_space<semaphore_mem>>) src(%arg8 : memref<6272xf32, #tpu.memory_space<vmem>>) dst(%dma_wait3A_24 : memref<6272xf32, #tpu.memory_space<hbm>>)
      tpu.yield
    }) : () -> ()
    return
  }
}

#map = affine_map<(d0, d1) -> (0, 0)>
#map1 = affine_map<(d0, d1) -> (0)>
#map2 = affine_map<(d0, d1) -> (0, 0, 0)>
module attributes {stable_mosaic.version = 14 : i64} {
  func.func @_sc_agg(%arg0: i32, %arg1: i32, %arg2: memref<100352x16xf32, #tpu.memory_space<hbm>>, %arg3: memref<3276800xi32, #tpu.memory_space<hbm>>, %arg4: memref<3276800xi32, #tpu.memory_space<hbm>>, %arg5: memref<1280x16xf32, #tpu.memory_space<hbm>>, %arg6: memref<2x100352x16xf32, #tpu.memory_space<hbm>>, %arg7: memref<1280xi32, #tpu.memory_space<vmem>>, %arg8: memref<1280xi32, #tpu.memory_space<vmem>>, %arg9: memref<1280x16xf32, #tpu.memory_space<vmem>>, %arg10: memref<100352x16xf32, #tpu.memory_space<vmem_shared>>, %arg11: memref<!tpu.dma_semaphore, #tpu.memory_space<semaphore_mem>>, %arg12: memref<!tpu.dma_semaphore, #tpu.memory_space<semaphore_mem>>) attributes {dimension_semantics = [#tpu.dimension_semantics<core_parallel>, #tpu.dimension_semantics<subcore_parallel>], iteration_bounds = array<i64: 2, 16>, scalar_prefetch = 0 : i64, scratch_operands = 6 : i64, tpu.core_type = #tpu.core_type<sc_vector_subcore>, window_params = [{transform_indices = #map}, {transform_indices = #map1}, {transform_indices = #map1}, {transform_indices = #map}, {transform_indices = #map2}]} {
    "tpu.region"() ({
      %run_scoped3A = tpu.sem_alloc : memref<!tpu.dma_semaphore, #tpu.memory_space<semaphore_mem>>
      tpu.enqueue_dma source(%arg5 : memref<1280x16xf32, #tpu.memory_space<hbm>>) target(%arg9 : memref<1280x16xf32, #tpu.memory_space<vmem>>) target_semaphore(%run_scoped3A : memref<!tpu.dma_semaphore, #tpu.memory_space<semaphore_mem>>)
      tpu.wait_dma2 semaphore(%run_scoped3A : memref<!tpu.dma_semaphore, #tpu.memory_space<semaphore_mem>>) src(%arg5 : memref<1280x16xf32, #tpu.memory_space<hbm>>) dst(%arg9 : memref<1280x16xf32, #tpu.memory_space<vmem>>)
      tpu.yield
    }) : () -> ()
    %mul3A = arith.constant 6272 : i32
    %mul3A_0 = arith.muli %arg1, %mul3A : i32
    %add3A = arith.constant 0 : i32
    %add3A_1 = arith.addi %mul3A_0, %add3A : i32
    "tpu.region"() ({
      %run_scoped3A = tpu.sem_alloc : memref<!tpu.dma_semaphore, #tpu.memory_space<semaphore_mem>>
      %dma_start3A = arith.constant 0 : i32
      %dma_start3A_57 = tpu.memref_slice %arg10[%add3A_1, %dma_start3A] : memref<100352x16xf32, #tpu.memory_space<vmem_shared>> -> memref<1280x16xf32, #tpu.memory_space<vmem_shared>>
      %dma_start3A_58 = arith.constant 0 : i32
      %dma_start3A_59 = tpu.memref_slice %arg10[%add3A_1, %dma_start3A_58] : memref<100352x16xf32, #tpu.memory_space<vmem_shared>> -> memref<1280x16xf32, #tpu.memory_space<vmem_shared>>
      tpu.enqueue_dma source(%arg9 : memref<1280x16xf32, #tpu.memory_space<vmem>>) target(%dma_start3A_59 : memref<1280x16xf32, #tpu.memory_space<vmem_shared>>) target_semaphore(%run_scoped3A : memref<!tpu.dma_semaphore, #tpu.memory_space<semaphore_mem>>)
      %dma_wait3A = arith.constant 0 : i32
      %dma_wait3A_60 = tpu.memref_slice %arg10[%add3A_1, %dma_wait3A] : memref<100352x16xf32, #tpu.memory_space<vmem_shared>> -> memref<1280x16xf32, #tpu.memory_space<vmem_shared>>
      %dma_wait3A_61 = arith.constant 0 : i32
      %dma_wait3A_62 = tpu.memref_slice %arg10[%add3A_1, %dma_wait3A_61] : memref<100352x16xf32, #tpu.memory_space<vmem_shared>> -> memref<1280x16xf32, #tpu.memory_space<vmem_shared>>
      tpu.wait_dma2 semaphore(%run_scoped3A : memref<!tpu.dma_semaphore, #tpu.memory_space<semaphore_mem>>) src(%arg9 : memref<1280x16xf32, #tpu.memory_space<vmem>>) dst(%dma_wait3A_62 : memref<1280x16xf32, #tpu.memory_space<vmem_shared>>)
      tpu.yield
    }) : () -> ()
    %mul3A_2 = arith.constant 6272 : i32
    %mul3A_3 = arith.muli %arg1, %mul3A_2 : i32
    %add3A_4 = arith.constant 1280 : i32
    %add3A_5 = arith.addi %mul3A_3, %add3A_4 : i32
    "tpu.region"() ({
      %run_scoped3A = tpu.sem_alloc : memref<!tpu.dma_semaphore, #tpu.memory_space<semaphore_mem>>
      %dma_start3A = arith.constant 0 : i32
      %dma_start3A_57 = tpu.memref_slice %arg10[%add3A_5, %dma_start3A] : memref<100352x16xf32, #tpu.memory_space<vmem_shared>> -> memref<1280x16xf32, #tpu.memory_space<vmem_shared>>
      %dma_start3A_58 = arith.constant 0 : i32
      %dma_start3A_59 = tpu.memref_slice %arg10[%add3A_5, %dma_start3A_58] : memref<100352x16xf32, #tpu.memory_space<vmem_shared>> -> memref<1280x16xf32, #tpu.memory_space<vmem_shared>>
      tpu.enqueue_dma source(%arg9 : memref<1280x16xf32, #tpu.memory_space<vmem>>) target(%dma_start3A_59 : memref<1280x16xf32, #tpu.memory_space<vmem_shared>>) target_semaphore(%run_scoped3A : memref<!tpu.dma_semaphore, #tpu.memory_space<semaphore_mem>>)
      %dma_wait3A = arith.constant 0 : i32
      %dma_wait3A_60 = tpu.memref_slice %arg10[%add3A_5, %dma_wait3A] : memref<100352x16xf32, #tpu.memory_space<vmem_shared>> -> memref<1280x16xf32, #tpu.memory_space<vmem_shared>>
      %dma_wait3A_61 = arith.constant 0 : i32
      %dma_wait3A_62 = tpu.memref_slice %arg10[%add3A_5, %dma_wait3A_61] : memref<100352x16xf32, #tpu.memory_space<vmem_shared>> -> memref<1280x16xf32, #tpu.memory_space<vmem_shared>>
      tpu.wait_dma2 semaphore(%run_scoped3A : memref<!tpu.dma_semaphore, #tpu.memory_space<semaphore_mem>>) src(%arg9 : memref<1280x16xf32, #tpu.memory_space<vmem>>) dst(%dma_wait3A_62 : memref<1280x16xf32, #tpu.memory_space<vmem_shared>>)
      tpu.yield
    }) : () -> ()
    %mul3A_6 = arith.constant 6272 : i32
    %mul3A_7 = arith.muli %arg1, %mul3A_6 : i32
    %add3A_8 = arith.constant 2560 : i32
    %add3A_9 = arith.addi %mul3A_7, %add3A_8 : i32
    "tpu.region"() ({
      %run_scoped3A = tpu.sem_alloc : memref<!tpu.dma_semaphore, #tpu.memory_space<semaphore_mem>>
      %dma_start3A = arith.constant 0 : i32
      %dma_start3A_57 = tpu.memref_slice %arg10[%add3A_9, %dma_start3A] : memref<100352x16xf32, #tpu.memory_space<vmem_shared>> -> memref<1280x16xf32, #tpu.memory_space<vmem_shared>>
      %dma_start3A_58 = arith.constant 0 : i32
      %dma_start3A_59 = tpu.memref_slice %arg10[%add3A_9, %dma_start3A_58] : memref<100352x16xf32, #tpu.memory_space<vmem_shared>> -> memref<1280x16xf32, #tpu.memory_space<vmem_shared>>
      tpu.enqueue_dma source(%arg9 : memref<1280x16xf32, #tpu.memory_space<vmem>>) target(%dma_start3A_59 : memref<1280x16xf32, #tpu.memory_space<vmem_shared>>) target_semaphore(%run_scoped3A : memref<!tpu.dma_semaphore, #tpu.memory_space<semaphore_mem>>)
      %dma_wait3A = arith.constant 0 : i32
      %dma_wait3A_60 = tpu.memref_slice %arg10[%add3A_9, %dma_wait3A] : memref<100352x16xf32, #tpu.memory_space<vmem_shared>> -> memref<1280x16xf32, #tpu.memory_space<vmem_shared>>
      %dma_wait3A_61 = arith.constant 0 : i32
      %dma_wait3A_62 = tpu.memref_slice %arg10[%add3A_9, %dma_wait3A_61] : memref<100352x16xf32, #tpu.memory_space<vmem_shared>> -> memref<1280x16xf32, #tpu.memory_space<vmem_shared>>
      tpu.wait_dma2 semaphore(%run_scoped3A : memref<!tpu.dma_semaphore, #tpu.memory_space<semaphore_mem>>) src(%arg9 : memref<1280x16xf32, #tpu.memory_space<vmem>>) dst(%dma_wait3A_62 : memref<1280x16xf32, #tpu.memory_space<vmem_shared>>)
      tpu.yield
    }) : () -> ()
    %mul3A_10 = arith.constant 6272 : i32
    %mul3A_11 = arith.muli %arg1, %mul3A_10 : i32
    %add3A_12 = arith.constant 3840 : i32
    %add3A_13 = arith.addi %mul3A_11, %add3A_12 : i32
    "tpu.region"() ({
      %run_scoped3A = tpu.sem_alloc : memref<!tpu.dma_semaphore, #tpu.memory_space<semaphore_mem>>
      %dma_start3A = arith.constant 0 : i32
      %dma_start3A_57 = tpu.memref_slice %arg10[%add3A_13, %dma_start3A] : memref<100352x16xf32, #tpu.memory_space<vmem_shared>> -> memref<1280x16xf32, #tpu.memory_space<vmem_shared>>
      %dma_start3A_58 = arith.constant 0 : i32
      %dma_start3A_59 = tpu.memref_slice %arg10[%add3A_13, %dma_start3A_58] : memref<100352x16xf32, #tpu.memory_space<vmem_shared>> -> memref<1280x16xf32, #tpu.memory_space<vmem_shared>>
      tpu.enqueue_dma source(%arg9 : memref<1280x16xf32, #tpu.memory_space<vmem>>) target(%dma_start3A_59 : memref<1280x16xf32, #tpu.memory_space<vmem_shared>>) target_semaphore(%run_scoped3A : memref<!tpu.dma_semaphore, #tpu.memory_space<semaphore_mem>>)
      %dma_wait3A = arith.constant 0 : i32
      %dma_wait3A_60 = tpu.memref_slice %arg10[%add3A_13, %dma_wait3A] : memref<100352x16xf32, #tpu.memory_space<vmem_shared>> -> memref<1280x16xf32, #tpu.memory_space<vmem_shared>>
      %dma_wait3A_61 = arith.constant 0 : i32
      %dma_wait3A_62 = tpu.memref_slice %arg10[%add3A_13, %dma_wait3A_61] : memref<100352x16xf32, #tpu.memory_space<vmem_shared>> -> memref<1280x16xf32, #tpu.memory_space<vmem_shared>>
      tpu.wait_dma2 semaphore(%run_scoped3A : memref<!tpu.dma_semaphore, #tpu.memory_space<semaphore_mem>>) src(%arg9 : memref<1280x16xf32, #tpu.memory_space<vmem>>) dst(%dma_wait3A_62 : memref<1280x16xf32, #tpu.memory_space<vmem_shared>>)
      tpu.yield
    }) : () -> ()
    %mul3A_14 = arith.constant 6272 : i32
    %mul3A_15 = arith.muli %arg1, %mul3A_14 : i32
    %add3A_16 = arith.constant 5120 : i32
    %add3A_17 = arith.addi %mul3A_15, %add3A_16 : i32
    "tpu.region"() ({
      %run_scoped3A = tpu.sem_alloc : memref<!tpu.dma_semaphore, #tpu.memory_space<semaphore_mem>>
      %dma_start3A = arith.constant 0 : i32
      %dma_start3A_57 = arith.constant 0 : i32
      %dma_start3A_58 = tpu.memref_slice %arg9[%dma_start3A, %dma_start3A_57] : memref<1280x16xf32, #tpu.memory_space<vmem>> -> memref<1152x16xf32, #tpu.memory_space<vmem>>
      %dma_start3A_59 = arith.constant 0 : i32
      %dma_start3A_60 = tpu.memref_slice %arg10[%add3A_17, %dma_start3A_59] : memref<100352x16xf32, #tpu.memory_space<vmem_shared>> -> memref<1152x16xf32, #tpu.memory_space<vmem_shared>>
      %dma_start3A_61 = arith.constant 0 : i32
      %dma_start3A_62 = tpu.memref_slice %arg10[%add3A_17, %dma_start3A_61] : memref<100352x16xf32, #tpu.memory_space<vmem_shared>> -> memref<1152x16xf32, #tpu.memory_space<vmem_shared>>
      %dma_start3A_63 = arith.constant 0 : i32
      %dma_start3A_64 = arith.constant 0 : i32
      %dma_start3A_65 = tpu.memref_slice %arg9[%dma_start3A_63, %dma_start3A_64] : memref<1280x16xf32, #tpu.memory_space<vmem>> -> memref<1152x16xf32, #tpu.memory_space<vmem>>
      tpu.enqueue_dma source(%dma_start3A_65 : memref<1152x16xf32, #tpu.memory_space<vmem>>) target(%dma_start3A_62 : memref<1152x16xf32, #tpu.memory_space<vmem_shared>>) target_semaphore(%run_scoped3A : memref<!tpu.dma_semaphore, #tpu.memory_space<semaphore_mem>>)
      %dma_wait3A = arith.constant 0 : i32
      %dma_wait3A_66 = arith.constant 0 : i32
      %dma_wait3A_67 = tpu.memref_slice %arg9[%dma_wait3A, %dma_wait3A_66] : memref<1280x16xf32, #tpu.memory_space<vmem>> -> memref<1152x16xf32, #tpu.memory_space<vmem>>
      %dma_wait3A_68 = arith.constant 0 : i32
      %dma_wait3A_69 = tpu.memref_slice %arg10[%add3A_17, %dma_wait3A_68] : memref<100352x16xf32, #tpu.memory_space<vmem_shared>> -> memref<1152x16xf32, #tpu.memory_space<vmem_shared>>
      %dma_wait3A_70 = arith.constant 0 : i32
      %dma_wait3A_71 = tpu.memref_slice %arg10[%add3A_17, %dma_wait3A_70] : memref<100352x16xf32, #tpu.memory_space<vmem_shared>> -> memref<1152x16xf32, #tpu.memory_space<vmem_shared>>
      %dma_wait3A_72 = arith.constant 0 : i32
      %dma_wait3A_73 = arith.constant 0 : i32
      %dma_wait3A_74 = tpu.memref_slice %arg9[%dma_wait3A_72, %dma_wait3A_73] : memref<1280x16xf32, #tpu.memory_space<vmem>> -> memref<1152x16xf32, #tpu.memory_space<vmem>>
      tpu.wait_dma2 semaphore(%run_scoped3A : memref<!tpu.dma_semaphore, #tpu.memory_space<semaphore_mem>>) src(%dma_wait3A_74 : memref<1152x16xf32, #tpu.memory_space<vmem>>) dst(%dma_wait3A_71 : memref<1152x16xf32, #tpu.memory_space<vmem_shared>>)
      tpu.yield
    }) : () -> ()
    %barrier3A = arith.constant 0 : index
    tpu.barrier barrier_id(%barrier3A)
    %eq3A = arith.constant 0 : i32
    %eq3A_18 = arith.cmpi eq, %arg0, %eq3A : i32
    %mul3A_19 = arith.constant 1200 : i32
    %mul3A_20 = arith.muli %arg1, %mul3A_19 : i32
    %mul3A_21 = arith.constant 400 : i32
    %mul3A_22 = arith.muli %arg1, %mul3A_21 : i32
    %add3A_23 = arith.constant 19200 : i32
    %add3A_24 = arith.addi %add3A_23, %mul3A_22 : i32
    %select_n3A = arith.select %eq3A_18, %mul3A_20, %add3A_24 : i32
    %jit3A = arith.constant 120 : i32
    %jit3A_25 = arith.constant 40 : i32
    %select_n3A_26 = arith.select %eq3A_18, %jit3A, %jit3A_25 : i32
    %while3A = arith.constant 0 : i32
    %while3A_27 = arith.constant 0 : i32
    %while3A_28 = arith.subi %select_n3A_26, %while3A_27 : i32
    %while3A_29 = arith.addi %while3A_27, %while3A_28 : i32
    %while3A_30 = arith.constant 1 : i32
    %while3A_31 = arith.divsi %while3A_28, %while3A_30 : i32
    %while3A_32 = arith.muli %while3A_31, %while3A_30 : i32
    %while3A_33 = arith.addi %while3A_27, %while3A_32 : i32
    %while3A_34 = arith.constant 1 : i32
    scf.for %while3A_57 = %while3A_27 to %while3A_33 step %while3A_34  : i32 {
      %mul3A_58 = arith.constant 10 : i32
      %mul3A_59 = arith.muli %while3A_57, %mul3A_58 : i32
      %add3A_60 = arith.addi %select_n3A, %mul3A_59 : i32
      %mul3A_61 = arith.constant 128 : i32
      %mul3A_62 = arith.muli %add3A_60, %mul3A_61 : i32
      "tpu.region"() ({
        %run_scoped3A = tpu.sem_alloc : memref<!tpu.dma_semaphore, #tpu.memory_space<semaphore_mem>>
        %dma_start3A_73 = tpu.memref_slice %arg3[%mul3A_62] : memref<3276800xi32, #tpu.memory_space<hbm>> -> memref<1280xi32, #tpu.memory_space<hbm>>
        %dma_start3A_74 = tpu.memref_slice %arg3[%mul3A_62] : memref<3276800xi32, #tpu.memory_space<hbm>> -> memref<1280xi32, #tpu.memory_space<hbm>>
        tpu.enqueue_dma source(%dma_start3A_74 : memref<1280xi32, #tpu.memory_space<hbm>>) target(%arg7 : memref<1280xi32, #tpu.memory_space<vmem>>) target_semaphore(%run_scoped3A : memref<!tpu.dma_semaphore, #tpu.memory_space<semaphore_mem>>)
        %dma_wait3A_75 = tpu.memref_slice %arg3[%mul3A_62] : memref<3276800xi32, #tpu.memory_space<hbm>> -> memref<1280xi32, #tpu.memory_space<hbm>>
        %dma_wait3A_76 = tpu.memref_slice %arg3[%mul3A_62] : memref<3276800xi32, #tpu.memory_space<hbm>> -> memref<1280xi32, #tpu.memory_space<hbm>>
        tpu.wait_dma2 semaphore(%run_scoped3A : memref<!tpu.dma_semaphore, #tpu.memory_space<semaphore_mem>>) src(%dma_wait3A_76 : memref<1280xi32, #tpu.memory_space<hbm>>) dst(%arg7 : memref<1280xi32, #tpu.memory_space<vmem>>)
        tpu.yield
      }) : () -> ()
      "tpu.region"() ({
        %run_scoped3A = tpu.sem_alloc : memref<!tpu.dma_semaphore, #tpu.memory_space<semaphore_mem>>
        %dma_start3A_73 = tpu.memref_slice %arg4[%mul3A_62] : memref<3276800xi32, #tpu.memory_space<hbm>> -> memref<1280xi32, #tpu.memory_space<hbm>>
        %dma_start3A_74 = tpu.memref_slice %arg4[%mul3A_62] : memref<3276800xi32, #tpu.memory_space<hbm>> -> memref<1280xi32, #tpu.memory_space<hbm>>
        tpu.enqueue_dma source(%dma_start3A_74 : memref<1280xi32, #tpu.memory_space<hbm>>) target(%arg8 : memref<1280xi32, #tpu.memory_space<vmem>>) target_semaphore(%run_scoped3A : memref<!tpu.dma_semaphore, #tpu.memory_space<semaphore_mem>>)
        %dma_wait3A_75 = tpu.memref_slice %arg4[%mul3A_62] : memref<3276800xi32, #tpu.memory_space<hbm>> -> memref<1280xi32, #tpu.memory_space<hbm>>
        %dma_wait3A_76 = tpu.memref_slice %arg4[%mul3A_62] : memref<3276800xi32, #tpu.memory_space<hbm>> -> memref<1280xi32, #tpu.memory_space<hbm>>
        tpu.wait_dma2 semaphore(%run_scoped3A : memref<!tpu.dma_semaphore, #tpu.memory_space<semaphore_mem>>) src(%dma_wait3A_76 : memref<1280xi32, #tpu.memory_space<hbm>>) dst(%arg8 : memref<1280xi32, #tpu.memory_space<vmem>>)
        tpu.yield
      }) : () -> ()
      %dma_start3A = arith.constant 0 : i32
      %dma_start3A_63 = arith.constant 0 : i32
      %dma_start3A_64 = tpu.memref_slice %arg2[%dma_start3A, %dma_start3A_63] : memref<100352x16xf32, #tpu.memory_space<hbm>> -> memref<100352x16xf32, #tpu.memory_space<hbm>>
      tpu.enqueue_indirect_dma source(%dma_start3A_64 : memref<100352x16xf32, #tpu.memory_space<hbm>>) target(%arg9 : memref<1280x16xf32, #tpu.memory_space<vmem>>) offsets(%arg7 : memref<1280xi32, #tpu.memory_space<vmem>>) semaphore(%arg11 : memref<!tpu.dma_semaphore, #tpu.memory_space<semaphore_mem>>)
      %dma_wait3A = arith.constant 0 : i32
      %dma_wait3A_65 = arith.constant 0 : i32
      %dma_wait3A_66 = tpu.memref_slice %arg2[%dma_wait3A, %dma_wait3A_65] : memref<100352x16xf32, #tpu.memory_space<hbm>> -> memref<100352x16xf32, #tpu.memory_space<hbm>>
      tpu.wait_indirect_dma semaphore(%arg11 : memref<!tpu.dma_semaphore, #tpu.memory_space<semaphore_mem>>) src(%dma_wait3A_66 : memref<100352x16xf32, #tpu.memory_space<hbm>>) dst(%arg9 : memref<1280x16xf32, #tpu.memory_space<vmem>>)
      %dma_start3A_67 = arith.constant 0 : i32
      %dma_start3A_68 = arith.constant 0 : i32
      %dma_start3A_69 = tpu.memref_slice %arg10[%dma_start3A_67, %dma_start3A_68] : memref<100352x16xf32, #tpu.memory_space<vmem_shared>> -> memref<100352x16xf32, #tpu.memory_space<vmem_shared>>
      tpu.enqueue_indirect_dma source(%arg9 : memref<1280x16xf32, #tpu.memory_space<vmem>>) target(%dma_start3A_69 : memref<100352x16xf32, #tpu.memory_space<vmem_shared>>) offsets(%arg8 : memref<1280xi32, #tpu.memory_space<vmem>>) semaphore(%arg12 : memref<!tpu.dma_semaphore, #tpu.memory_space<semaphore_mem>>) {add = true}
      %dma_wait3A_70 = arith.constant 0 : i32
      %dma_wait3A_71 = arith.constant 0 : i32
      %dma_wait3A_72 = tpu.memref_slice %arg10[%dma_wait3A_70, %dma_wait3A_71] : memref<100352x16xf32, #tpu.memory_space<vmem_shared>> -> memref<100352x16xf32, #tpu.memory_space<vmem_shared>>
      tpu.wait_indirect_dma semaphore(%arg12 : memref<!tpu.dma_semaphore, #tpu.memory_space<semaphore_mem>>) src(%arg9 : memref<1280x16xf32, #tpu.memory_space<vmem>>) dst(%dma_wait3A_72 : memref<100352x16xf32, #tpu.memory_space<vmem_shared>>)
    }
    %while3A_35 = arith.constant 1 : i32
    scf.for %while3A_57 = %while3A_33 to %while3A_29 step %while3A_35  : i32 {
      %mul3A_58 = arith.constant 10 : i32
      %mul3A_59 = arith.muli %while3A_57, %mul3A_58 : i32
      %add3A_60 = arith.addi %select_n3A, %mul3A_59 : i32
      %mul3A_61 = arith.constant 128 : i32
      %mul3A_62 = arith.muli %add3A_60, %mul3A_61 : i32
      "tpu.region"() ({
        %run_scoped3A = tpu.sem_alloc : memref<!tpu.dma_semaphore, #tpu.memory_space<semaphore_mem>>
        %dma_start3A_73 = tpu.memref_slice %arg3[%mul3A_62] : memref<3276800xi32, #tpu.memory_space<hbm>> -> memref<1280xi32, #tpu.memory_space<hbm>>
        %dma_start3A_74 = tpu.memref_slice %arg3[%mul3A_62] : memref<3276800xi32, #tpu.memory_space<hbm>> -> memref<1280xi32, #tpu.memory_space<hbm>>
        tpu.enqueue_dma source(%dma_start3A_74 : memref<1280xi32, #tpu.memory_space<hbm>>) target(%arg7 : memref<1280xi32, #tpu.memory_space<vmem>>) target_semaphore(%run_scoped3A : memref<!tpu.dma_semaphore, #tpu.memory_space<semaphore_mem>>)
        %dma_wait3A_75 = tpu.memref_slice %arg3[%mul3A_62] : memref<3276800xi32, #tpu.memory_space<hbm>> -> memref<1280xi32, #tpu.memory_space<hbm>>
        %dma_wait3A_76 = tpu.memref_slice %arg3[%mul3A_62] : memref<3276800xi32, #tpu.memory_space<hbm>> -> memref<1280xi32, #tpu.memory_space<hbm>>
        tpu.wait_dma2 semaphore(%run_scoped3A : memref<!tpu.dma_semaphore, #tpu.memory_space<semaphore_mem>>) src(%dma_wait3A_76 : memref<1280xi32, #tpu.memory_space<hbm>>) dst(%arg7 : memref<1280xi32, #tpu.memory_space<vmem>>)
        tpu.yield
      }) : () -> ()
      "tpu.region"() ({
        %run_scoped3A = tpu.sem_alloc : memref<!tpu.dma_semaphore, #tpu.memory_space<semaphore_mem>>
        %dma_start3A_73 = tpu.memref_slice %arg4[%mul3A_62] : memref<3276800xi32, #tpu.memory_space<hbm>> -> memref<1280xi32, #tpu.memory_space<hbm>>
        %dma_start3A_74 = tpu.memref_slice %arg4[%mul3A_62] : memref<3276800xi32, #tpu.memory_space<hbm>> -> memref<1280xi32, #tpu.memory_space<hbm>>
        tpu.enqueue_dma source(%dma_start3A_74 : memref<1280xi32, #tpu.memory_space<hbm>>) target(%arg8 : memref<1280xi32, #tpu.memory_space<vmem>>) target_semaphore(%run_scoped3A : memref<!tpu.dma_semaphore, #tpu.memory_space<semaphore_mem>>)
        %dma_wait3A_75 = tpu.memref_slice %arg4[%mul3A_62] : memref<3276800xi32, #tpu.memory_space<hbm>> -> memref<1280xi32, #tpu.memory_space<hbm>>
        %dma_wait3A_76 = tpu.memref_slice %arg4[%mul3A_62] : memref<3276800xi32, #tpu.memory_space<hbm>> -> memref<1280xi32, #tpu.memory_space<hbm>>
        tpu.wait_dma2 semaphore(%run_scoped3A : memref<!tpu.dma_semaphore, #tpu.memory_space<semaphore_mem>>) src(%dma_wait3A_76 : memref<1280xi32, #tpu.memory_space<hbm>>) dst(%arg8 : memref<1280xi32, #tpu.memory_space<vmem>>)
        tpu.yield
      }) : () -> ()
      %dma_start3A = arith.constant 0 : i32
      %dma_start3A_63 = arith.constant 0 : i32
      %dma_start3A_64 = tpu.memref_slice %arg2[%dma_start3A, %dma_start3A_63] : memref<100352x16xf32, #tpu.memory_space<hbm>> -> memref<100352x16xf32, #tpu.memory_space<hbm>>
      tpu.enqueue_indirect_dma source(%dma_start3A_64 : memref<100352x16xf32, #tpu.memory_space<hbm>>) target(%arg9 : memref<1280x16xf32, #tpu.memory_space<vmem>>) offsets(%arg7 : memref<1280xi32, #tpu.memory_space<vmem>>) semaphore(%arg11 : memref<!tpu.dma_semaphore, #tpu.memory_space<semaphore_mem>>)
      %dma_wait3A = arith.constant 0 : i32
      %dma_wait3A_65 = arith.constant 0 : i32
      %dma_wait3A_66 = tpu.memref_slice %arg2[%dma_wait3A, %dma_wait3A_65] : memref<100352x16xf32, #tpu.memory_space<hbm>> -> memref<100352x16xf32, #tpu.memory_space<hbm>>
      tpu.wait_indirect_dma semaphore(%arg11 : memref<!tpu.dma_semaphore, #tpu.memory_space<semaphore_mem>>) src(%dma_wait3A_66 : memref<100352x16xf32, #tpu.memory_space<hbm>>) dst(%arg9 : memref<1280x16xf32, #tpu.memory_space<vmem>>)
      %dma_start3A_67 = arith.constant 0 : i32
      %dma_start3A_68 = arith.constant 0 : i32
      %dma_start3A_69 = tpu.memref_slice %arg10[%dma_start3A_67, %dma_start3A_68] : memref<100352x16xf32, #tpu.memory_space<vmem_shared>> -> memref<100352x16xf32, #tpu.memory_space<vmem_shared>>
      tpu.enqueue_indirect_dma source(%arg9 : memref<1280x16xf32, #tpu.memory_space<vmem>>) target(%dma_start3A_69 : memref<100352x16xf32, #tpu.memory_space<vmem_shared>>) offsets(%arg8 : memref<1280xi32, #tpu.memory_space<vmem>>) semaphore(%arg12 : memref<!tpu.dma_semaphore, #tpu.memory_space<semaphore_mem>>) {add = true}
      %dma_wait3A_70 = arith.constant 0 : i32
      %dma_wait3A_71 = arith.constant 0 : i32
      %dma_wait3A_72 = tpu.memref_slice %arg10[%dma_wait3A_70, %dma_wait3A_71] : memref<100352x16xf32, #tpu.memory_space<vmem_shared>> -> memref<100352x16xf32, #tpu.memory_space<vmem_shared>>
      tpu.wait_indirect_dma semaphore(%arg12 : memref<!tpu.dma_semaphore, #tpu.memory_space<semaphore_mem>>) src(%arg9 : memref<1280x16xf32, #tpu.memory_space<vmem>>) dst(%dma_wait3A_72 : memref<100352x16xf32, #tpu.memory_space<vmem_shared>>)
    }
    %barrier3A_36 = arith.constant 0 : index
    tpu.barrier barrier_id(%barrier3A_36)
    %mul3A_37 = arith.constant 6272 : i32
    %mul3A_38 = arith.muli %arg1, %mul3A_37 : i32
    %add3A_39 = arith.constant 0 : i32
    %add3A_40 = arith.addi %mul3A_38, %add3A_39 : i32
    "tpu.region"() ({
      %run_scoped3A = tpu.sem_alloc : memref<!tpu.dma_semaphore, #tpu.memory_space<semaphore_mem>>
      %dma_start3A = arith.constant 0 : i32
      %dma_start3A_57 = tpu.memref_slice %arg10[%add3A_40, %dma_start3A] : memref<100352x16xf32, #tpu.memory_space<vmem_shared>> -> memref<1280x16xf32, #tpu.memory_space<vmem_shared>>
      %dma_start3A_58 = arith.constant 0 : i32
      %dma_start3A_59 = tpu.memref_slice %arg10[%add3A_40, %dma_start3A_58] : memref<100352x16xf32, #tpu.memory_space<vmem_shared>> -> memref<1280x16xf32, #tpu.memory_space<vmem_shared>>
      tpu.enqueue_dma source(%dma_start3A_59 : memref<1280x16xf32, #tpu.memory_space<vmem_shared>>) target(%arg9 : memref<1280x16xf32, #tpu.memory_space<vmem>>) target_semaphore(%run_scoped3A : memref<!tpu.dma_semaphore, #tpu.memory_space<semaphore_mem>>)
      %dma_wait3A = arith.constant 0 : i32
      %dma_wait3A_60 = tpu.memref_slice %arg10[%add3A_40, %dma_wait3A] : memref<100352x16xf32, #tpu.memory_space<vmem_shared>> -> memref<1280x16xf32, #tpu.memory_space<vmem_shared>>
      %dma_wait3A_61 = arith.constant 0 : i32
      %dma_wait3A_62 = tpu.memref_slice %arg10[%add3A_40, %dma_wait3A_61] : memref<100352x16xf32, #tpu.memory_space<vmem_shared>> -> memref<1280x16xf32, #tpu.memory_space<vmem_shared>>
      tpu.wait_dma2 semaphore(%run_scoped3A : memref<!tpu.dma_semaphore, #tpu.memory_space<semaphore_mem>>) src(%dma_wait3A_62 : memref<1280x16xf32, #tpu.memory_space<vmem_shared>>) dst(%arg9 : memref<1280x16xf32, #tpu.memory_space<vmem>>)
      tpu.yield
    }) : () -> ()
    "tpu.region"() ({
      %run_scoped3A = tpu.sem_alloc : memref<!tpu.dma_semaphore, #tpu.memory_space<semaphore_mem>>
      %dma_start3A = arith.constant 0 : i32
      %dma_start3A_57 = tpu.memref_slice %arg6[%arg0, %add3A_40, %dma_start3A] : memref<2x100352x16xf32, #tpu.memory_space<hbm>> -> memref<1x1280x16xf32, #tpu.memory_space<hbm>>
      %dma_start3A_58 = tpu.memref_squeeze %dma_start3A_57 : memref<1x1280x16xf32, #tpu.memory_space<hbm>> -> memref<1280x16xf32, #tpu.memory_space<hbm>>
      %dma_start3A_59 = arith.constant 0 : i32
      %dma_start3A_60 = tpu.memref_slice %arg6[%arg0, %add3A_40, %dma_start3A_59] : memref<2x100352x16xf32, #tpu.memory_space<hbm>> -> memref<1x1280x16xf32, #tpu.memory_space<hbm>>
      %dma_start3A_61 = tpu.memref_squeeze %dma_start3A_60 : memref<1x1280x16xf32, #tpu.memory_space<hbm>> -> memref<1280x16xf32, #tpu.memory_space<hbm>>
      tpu.enqueue_dma source(%arg9 : memref<1280x16xf32, #tpu.memory_space<vmem>>) target(%dma_start3A_61 : memref<1280x16xf32, #tpu.memory_space<hbm>>) target_semaphore(%run_scoped3A : memref<!tpu.dma_semaphore, #tpu.memory_space<semaphore_mem>>)
      %dma_wait3A = arith.constant 0 : i32
      %dma_wait3A_62 = tpu.memref_slice %arg6[%arg0, %add3A_40, %dma_wait3A] : memref<2x100352x16xf32, #tpu.memory_space<hbm>> -> memref<1x1280x16xf32, #tpu.memory_space<hbm>>
      %dma_wait3A_63 = tpu.memref_squeeze %dma_wait3A_62 : memref<1x1280x16xf32, #tpu.memory_space<hbm>> -> memref<1280x16xf32, #tpu.memory_space<hbm>>
      %dma_wait3A_64 = arith.constant 0 : i32
      %dma_wait3A_65 = tpu.memref_slice %arg6[%arg0, %add3A_40, %dma_wait3A_64] : memref<2x100352x16xf32, #tpu.memory_space<hbm>> -> memref<1x1280x16xf32, #tpu.memory_space<hbm>>
      %dma_wait3A_66 = tpu.memref_squeeze %dma_wait3A_65 : memref<1x1280x16xf32, #tpu.memory_space<hbm>> -> memref<1280x16xf32, #tpu.memory_space<hbm>>
      tpu.wait_dma2 semaphore(%run_scoped3A : memref<!tpu.dma_semaphore, #tpu.memory_space<semaphore_mem>>) src(%arg9 : memref<1280x16xf32, #tpu.memory_space<vmem>>) dst(%dma_wait3A_66 : memref<1280x16xf32, #tpu.memory_space<hbm>>)
      tpu.yield
    }) : () -> ()
    %mul3A_41 = arith.constant 6272 : i32
    %mul3A_42 = arith.muli %arg1, %mul3A_41 : i32
    %add3A_43 = arith.constant 1280 : i32
    %add3A_44 = arith.addi %mul3A_42, %add3A_43 : i32
    "tpu.region"() ({
      %run_scoped3A = tpu.sem_alloc : memref<!tpu.dma_semaphore, #tpu.memory_space<semaphore_mem>>
      %dma_start3A = arith.constant 0 : i32
      %dma_start3A_57 = tpu.memref_slice %arg10[%add3A_44, %dma_start3A] : memref<100352x16xf32, #tpu.memory_space<vmem_shared>> -> memref<1280x16xf32, #tpu.memory_space<vmem_shared>>
      %dma_start3A_58 = arith.constant 0 : i32
      %dma_start3A_59 = tpu.memref_slice %arg10[%add3A_44, %dma_start3A_58] : memref<100352x16xf32, #tpu.memory_space<vmem_shared>> -> memref<1280x16xf32, #tpu.memory_space<vmem_shared>>
      tpu.enqueue_dma source(%dma_start3A_59 : memref<1280x16xf32, #tpu.memory_space<vmem_shared>>) target(%arg9 : memref<1280x16xf32, #tpu.memory_space<vmem>>) target_semaphore(%run_scoped3A : memref<!tpu.dma_semaphore, #tpu.memory_space<semaphore_mem>>)
      %dma_wait3A = arith.constant 0 : i32
      %dma_wait3A_60 = tpu.memref_slice %arg10[%add3A_44, %dma_wait3A] : memref<100352x16xf32, #tpu.memory_space<vmem_shared>> -> memref<1280x16xf32, #tpu.memory_space<vmem_shared>>
      %dma_wait3A_61 = arith.constant 0 : i32
      %dma_wait3A_62 = tpu.memref_slice %arg10[%add3A_44, %dma_wait3A_61] : memref<100352x16xf32, #tpu.memory_space<vmem_shared>> -> memref<1280x16xf32, #tpu.memory_space<vmem_shared>>
      tpu.wait_dma2 semaphore(%run_scoped3A : memref<!tpu.dma_semaphore, #tpu.memory_space<semaphore_mem>>) src(%dma_wait3A_62 : memref<1280x16xf32, #tpu.memory_space<vmem_shared>>) dst(%arg9 : memref<1280x16xf32, #tpu.memory_space<vmem>>)
      tpu.yield
    }) : () -> ()
    "tpu.region"() ({
      %run_scoped3A = tpu.sem_alloc : memref<!tpu.dma_semaphore, #tpu.memory_space<semaphore_mem>>
      %dma_start3A = arith.constant 0 : i32
      %dma_start3A_57 = tpu.memref_slice %arg6[%arg0, %add3A_44, %dma_start3A] : memref<2x100352x16xf32, #tpu.memory_space<hbm>> -> memref<1x1280x16xf32, #tpu.memory_space<hbm>>
      %dma_start3A_58 = tpu.memref_squeeze %dma_start3A_57 : memref<1x1280x16xf32, #tpu.memory_space<hbm>> -> memref<1280x16xf32, #tpu.memory_space<hbm>>
      %dma_start3A_59 = arith.constant 0 : i32
      %dma_start3A_60 = tpu.memref_slice %arg6[%arg0, %add3A_44, %dma_start3A_59] : memref<2x100352x16xf32, #tpu.memory_space<hbm>> -> memref<1x1280x16xf32, #tpu.memory_space<hbm>>
      %dma_start3A_61 = tpu.memref_squeeze %dma_start3A_60 : memref<1x1280x16xf32, #tpu.memory_space<hbm>> -> memref<1280x16xf32, #tpu.memory_space<hbm>>
      tpu.enqueue_dma source(%arg9 : memref<1280x16xf32, #tpu.memory_space<vmem>>) target(%dma_start3A_61 : memref<1280x16xf32, #tpu.memory_space<hbm>>) target_semaphore(%run_scoped3A : memref<!tpu.dma_semaphore, #tpu.memory_space<semaphore_mem>>)
      %dma_wait3A = arith.constant 0 : i32
      %dma_wait3A_62 = tpu.memref_slice %arg6[%arg0, %add3A_44, %dma_wait3A] : memref<2x100352x16xf32, #tpu.memory_space<hbm>> -> memref<1x1280x16xf32, #tpu.memory_space<hbm>>
      %dma_wait3A_63 = tpu.memref_squeeze %dma_wait3A_62 : memref<1x1280x16xf32, #tpu.memory_space<hbm>> -> memref<1280x16xf32, #tpu.memory_space<hbm>>
      %dma_wait3A_64 = arith.constant 0 : i32
      %dma_wait3A_65 = tpu.memref_slice %arg6[%arg0, %add3A_44, %dma_wait3A_64] : memref<2x100352x16xf32, #tpu.memory_space<hbm>> -> memref<1x1280x16xf32, #tpu.memory_space<hbm>>
      %dma_wait3A_66 = tpu.memref_squeeze %dma_wait3A_65 : memref<1x1280x16xf32, #tpu.memory_space<hbm>> -> memref<1280x16xf32, #tpu.memory_space<hbm>>
      tpu.wait_dma2 semaphore(%run_scoped3A : memref<!tpu.dma_semaphore, #tpu.memory_space<semaphore_mem>>) src(%arg9 : memref<1280x16xf32, #tpu.memory_space<vmem>>) dst(%dma_wait3A_66 : memref<1280x16xf32, #tpu.memory_space<hbm>>)
      tpu.yield
    }) : () -> ()
    %mul3A_45 = arith.constant 6272 : i32
    %mul3A_46 = arith.muli %arg1, %mul3A_45 : i32
    %add3A_47 = arith.constant 2560 : i32
    %add3A_48 = arith.addi %mul3A_46, %add3A_47 : i32
    "tpu.region"() ({
      %run_scoped3A = tpu.sem_alloc : memref<!tpu.dma_semaphore, #tpu.memory_space<semaphore_mem>>
      %dma_start3A = arith.constant 0 : i32
      %dma_start3A_57 = tpu.memref_slice %arg10[%add3A_48, %dma_start3A] : memref<100352x16xf32, #tpu.memory_space<vmem_shared>> -> memref<1280x16xf32, #tpu.memory_space<vmem_shared>>
      %dma_start3A_58 = arith.constant 0 : i32
      %dma_start3A_59 = tpu.memref_slice %arg10[%add3A_48, %dma_start3A_58] : memref<100352x16xf32, #tpu.memory_space<vmem_shared>> -> memref<1280x16xf32, #tpu.memory_space<vmem_shared>>
      tpu.enqueue_dma source(%dma_start3A_59 : memref<1280x16xf32, #tpu.memory_space<vmem_shared>>) target(%arg9 : memref<1280x16xf32, #tpu.memory_space<vmem>>) target_semaphore(%run_scoped3A : memref<!tpu.dma_semaphore, #tpu.memory_space<semaphore_mem>>)
      %dma_wait3A = arith.constant 0 : i32
      %dma_wait3A_60 = tpu.memref_slice %arg10[%add3A_48, %dma_wait3A] : memref<100352x16xf32, #tpu.memory_space<vmem_shared>> -> memref<1280x16xf32, #tpu.memory_space<vmem_shared>>
      %dma_wait3A_61 = arith.constant 0 : i32
      %dma_wait3A_62 = tpu.memref_slice %arg10[%add3A_48, %dma_wait3A_61] : memref<100352x16xf32, #tpu.memory_space<vmem_shared>> -> memref<1280x16xf32, #tpu.memory_space<vmem_shared>>
      tpu.wait_dma2 semaphore(%run_scoped3A : memref<!tpu.dma_semaphore, #tpu.memory_space<semaphore_mem>>) src(%dma_wait3A_62 : memref<1280x16xf32, #tpu.memory_space<vmem_shared>>) dst(%arg9 : memref<1280x16xf32, #tpu.memory_space<vmem>>)
      tpu.yield
    }) : () -> ()
    "tpu.region"() ({
      %run_scoped3A = tpu.sem_alloc : memref<!tpu.dma_semaphore, #tpu.memory_space<semaphore_mem>>
      %dma_start3A = arith.constant 0 : i32
      %dma_start3A_57 = tpu.memref_slice %arg6[%arg0, %add3A_48, %dma_start3A] : memref<2x100352x16xf32, #tpu.memory_space<hbm>> -> memref<1x1280x16xf32, #tpu.memory_space<hbm>>
      %dma_start3A_58 = tpu.memref_squeeze %dma_start3A_57 : memref<1x1280x16xf32, #tpu.memory_space<hbm>> -> memref<1280x16xf32, #tpu.memory_space<hbm>>
      %dma_start3A_59 = arith.constant 0 : i32
      %dma_start3A_60 = tpu.memref_slice %arg6[%arg0, %add3A_48, %dma_start3A_59] : memref<2x100352x16xf32, #tpu.memory_space<hbm>> -> memref<1x1280x16xf32, #tpu.memory_space<hbm>>
      %dma_start3A_61 = tpu.memref_squeeze %dma_start3A_60 : memref<1x1280x16xf32, #tpu.memory_space<hbm>> -> memref<1280x16xf32, #tpu.memory_space<hbm>>
      tpu.enqueue_dma source(%arg9 : memref<1280x16xf32, #tpu.memory_space<vmem>>) target(%dma_start3A_61 : memref<1280x16xf32, #tpu.memory_space<hbm>>) target_semaphore(%run_scoped3A : memref<!tpu.dma_semaphore, #tpu.memory_space<semaphore_mem>>)
      %dma_wait3A = arith.constant 0 : i32
      %dma_wait3A_62 = tpu.memref_slice %arg6[%arg0, %add3A_48, %dma_wait3A] : memref<2x100352x16xf32, #tpu.memory_space<hbm>> -> memref<1x1280x16xf32, #tpu.memory_space<hbm>>
      %dma_wait3A_63 = tpu.memref_squeeze %dma_wait3A_62 : memref<1x1280x16xf32, #tpu.memory_space<hbm>> -> memref<1280x16xf32, #tpu.memory_space<hbm>>
      %dma_wait3A_64 = arith.constant 0 : i32
      %dma_wait3A_65 = tpu.memref_slice %arg6[%arg0, %add3A_48, %dma_wait3A_64] : memref<2x100352x16xf32, #tpu.memory_space<hbm>> -> memref<1x1280x16xf32, #tpu.memory_space<hbm>>
      %dma_wait3A_66 = tpu.memref_squeeze %dma_wait3A_65 : memref<1x1280x16xf32, #tpu.memory_space<hbm>> -> memref<1280x16xf32, #tpu.memory_space<hbm>>
      tpu.wait_dma2 semaphore(%run_scoped3A : memref<!tpu.dma_semaphore, #tpu.memory_space<semaphore_mem>>) src(%arg9 : memref<1280x16xf32, #tpu.memory_space<vmem>>) dst(%dma_wait3A_66 : memref<1280x16xf32, #tpu.memory_space<hbm>>)
      tpu.yield
    }) : () -> ()
    %mul3A_49 = arith.constant 6272 : i32
    %mul3A_50 = arith.muli %arg1, %mul3A_49 : i32
    %add3A_51 = arith.constant 3840 : i32
    %add3A_52 = arith.addi %mul3A_50, %add3A_51 : i32
    "tpu.region"() ({
      %run_scoped3A = tpu.sem_alloc : memref<!tpu.dma_semaphore, #tpu.memory_space<semaphore_mem>>
      %dma_start3A = arith.constant 0 : i32
      %dma_start3A_57 = tpu.memref_slice %arg10[%add3A_52, %dma_start3A] : memref<100352x16xf32, #tpu.memory_space<vmem_shared>> -> memref<1280x16xf32, #tpu.memory_space<vmem_shared>>
      %dma_start3A_58 = arith.constant 0 : i32
      %dma_start3A_59 = tpu.memref_slice %arg10[%add3A_52, %dma_start3A_58] : memref<100352x16xf32, #tpu.memory_space<vmem_shared>> -> memref<1280x16xf32, #tpu.memory_space<vmem_shared>>
      tpu.enqueue_dma source(%dma_start3A_59 : memref<1280x16xf32, #tpu.memory_space<vmem_shared>>) target(%arg9 : memref<1280x16xf32, #tpu.memory_space<vmem>>) target_semaphore(%run_scoped3A : memref<!tpu.dma_semaphore, #tpu.memory_space<semaphore_mem>>)
      %dma_wait3A = arith.constant 0 : i32
      %dma_wait3A_60 = tpu.memref_slice %arg10[%add3A_52, %dma_wait3A] : memref<100352x16xf32, #tpu.memory_space<vmem_shared>> -> memref<1280x16xf32, #tpu.memory_space<vmem_shared>>
      %dma_wait3A_61 = arith.constant 0 : i32
      %dma_wait3A_62 = tpu.memref_slice %arg10[%add3A_52, %dma_wait3A_61] : memref<100352x16xf32, #tpu.memory_space<vmem_shared>> -> memref<1280x16xf32, #tpu.memory_space<vmem_shared>>
      tpu.wait_dma2 semaphore(%run_scoped3A : memref<!tpu.dma_semaphore, #tpu.memory_space<semaphore_mem>>) src(%dma_wait3A_62 : memref<1280x16xf32, #tpu.memory_space<vmem_shared>>) dst(%arg9 : memref<1280x16xf32, #tpu.memory_space<vmem>>)
      tpu.yield
    }) : () -> ()
    "tpu.region"() ({
      %run_scoped3A = tpu.sem_alloc : memref<!tpu.dma_semaphore, #tpu.memory_space<semaphore_mem>>
      %dma_start3A = arith.constant 0 : i32
      %dma_start3A_57 = tpu.memref_slice %arg6[%arg0, %add3A_52, %dma_start3A] : memref<2x100352x16xf32, #tpu.memory_space<hbm>> -> memref<1x1280x16xf32, #tpu.memory_space<hbm>>
      %dma_start3A_58 = tpu.memref_squeeze %dma_start3A_57 : memref<1x1280x16xf32, #tpu.memory_space<hbm>> -> memref<1280x16xf32, #tpu.memory_space<hbm>>
      %dma_start3A_59 = arith.constant 0 : i32
      %dma_start3A_60 = tpu.memref_slice %arg6[%arg0, %add3A_52, %dma_start3A_59] : memref<2x100352x16xf32, #tpu.memory_space<hbm>> -> memref<1x1280x16xf32, #tpu.memory_space<hbm>>
      %dma_start3A_61 = tpu.memref_squeeze %dma_start3A_60 : memref<1x1280x16xf32, #tpu.memory_space<hbm>> -> memref<1280x16xf32, #tpu.memory_space<hbm>>
      tpu.enqueue_dma source(%arg9 : memref<1280x16xf32, #tpu.memory_space<vmem>>) target(%dma_start3A_61 : memref<1280x16xf32, #tpu.memory_space<hbm>>) target_semaphore(%run_scoped3A : memref<!tpu.dma_semaphore, #tpu.memory_space<semaphore_mem>>)
      %dma_wait3A = arith.constant 0 : i32
      %dma_wait3A_62 = tpu.memref_slice %arg6[%arg0, %add3A_52, %dma_wait3A] : memref<2x100352x16xf32, #tpu.memory_space<hbm>> -> memref<1x1280x16xf32, #tpu.memory_space<hbm>>
      %dma_wait3A_63 = tpu.memref_squeeze %dma_wait3A_62 : memref<1x1280x16xf32, #tpu.memory_space<hbm>> -> memref<1280x16xf32, #tpu.memory_space<hbm>>
      %dma_wait3A_64 = arith.constant 0 : i32
      %dma_wait3A_65 = tpu.memref_slice %arg6[%arg0, %add3A_52, %dma_wait3A_64] : memref<2x100352x16xf32, #tpu.memory_space<hbm>> -> memref<1x1280x16xf32, #tpu.memory_space<hbm>>
      %dma_wait3A_66 = tpu.memref_squeeze %dma_wait3A_65 : memref<1x1280x16xf32, #tpu.memory_space<hbm>> -> memref<1280x16xf32, #tpu.memory_space<hbm>>
      tpu.wait_dma2 semaphore(%run_scoped3A : memref<!tpu.dma_semaphore, #tpu.memory_space<semaphore_mem>>) src(%arg9 : memref<1280x16xf32, #tpu.memory_space<vmem>>) dst(%dma_wait3A_66 : memref<1280x16xf32, #tpu.memory_space<hbm>>)
      tpu.yield
    }) : () -> ()
    %mul3A_53 = arith.constant 6272 : i32
    %mul3A_54 = arith.muli %arg1, %mul3A_53 : i32
    %add3A_55 = arith.constant 5120 : i32
    %add3A_56 = arith.addi %mul3A_54, %add3A_55 : i32
    "tpu.region"() ({
      %run_scoped3A = tpu.sem_alloc : memref<!tpu.dma_semaphore, #tpu.memory_space<semaphore_mem>>
      %dma_start3A = arith.constant 0 : i32
      %dma_start3A_57 = arith.constant 0 : i32
      %dma_start3A_58 = tpu.memref_slice %arg9[%dma_start3A, %dma_start3A_57] : memref<1280x16xf32, #tpu.memory_space<vmem>> -> memref<1152x16xf32, #tpu.memory_space<vmem>>
      %dma_start3A_59 = arith.constant 0 : i32
      %dma_start3A_60 = tpu.memref_slice %arg10[%add3A_56, %dma_start3A_59] : memref<100352x16xf32, #tpu.memory_space<vmem_shared>> -> memref<1152x16xf32, #tpu.memory_space<vmem_shared>>
      %dma_start3A_61 = arith.constant 0 : i32
      %dma_start3A_62 = arith.constant 0 : i32
      %dma_start3A_63 = tpu.memref_slice %arg9[%dma_start3A_61, %dma_start3A_62] : memref<1280x16xf32, #tpu.memory_space<vmem>> -> memref<1152x16xf32, #tpu.memory_space<vmem>>
      %dma_start3A_64 = arith.constant 0 : i32
      %dma_start3A_65 = tpu.memref_slice %arg10[%add3A_56, %dma_start3A_64] : memref<100352x16xf32, #tpu.memory_space<vmem_shared>> -> memref<1152x16xf32, #tpu.memory_space<vmem_shared>>
      tpu.enqueue_dma source(%dma_start3A_65 : memref<1152x16xf32, #tpu.memory_space<vmem_shared>>) target(%dma_start3A_63 : memref<1152x16xf32, #tpu.memory_space<vmem>>) target_semaphore(%run_scoped3A : memref<!tpu.dma_semaphore, #tpu.memory_space<semaphore_mem>>)
      %dma_wait3A = arith.constant 0 : i32
      %dma_wait3A_66 = arith.constant 0 : i32
      %dma_wait3A_67 = tpu.memref_slice %arg9[%dma_wait3A, %dma_wait3A_66] : memref<1280x16xf32, #tpu.memory_space<vmem>> -> memref<1152x16xf32, #tpu.memory_space<vmem>>
      %dma_wait3A_68 = arith.constant 0 : i32
      %dma_wait3A_69 = tpu.memref_slice %arg10[%add3A_56, %dma_wait3A_68] : memref<100352x16xf32, #tpu.memory_space<vmem_shared>> -> memref<1152x16xf32, #tpu.memory_space<vmem_shared>>
      %dma_wait3A_70 = arith.constant 0 : i32
      %dma_wait3A_71 = arith.constant 0 : i32
      %dma_wait3A_72 = tpu.memref_slice %arg9[%dma_wait3A_70, %dma_wait3A_71] : memref<1280x16xf32, #tpu.memory_space<vmem>> -> memref<1152x16xf32, #tpu.memory_space<vmem>>
      %dma_wait3A_73 = arith.constant 0 : i32
      %dma_wait3A_74 = tpu.memref_slice %arg10[%add3A_56, %dma_wait3A_73] : memref<100352x16xf32, #tpu.memory_space<vmem_shared>> -> memref<1152x16xf32, #tpu.memory_space<vmem_shared>>
      tpu.wait_dma2 semaphore(%run_scoped3A : memref<!tpu.dma_semaphore, #tpu.memory_space<semaphore_mem>>) src(%dma_wait3A_74 : memref<1152x16xf32, #tpu.memory_space<vmem_shared>>) dst(%dma_wait3A_72 : memref<1152x16xf32, #tpu.memory_space<vmem>>)
      tpu.yield
    }) : () -> ()
    "tpu.region"() ({
      %run_scoped3A = tpu.sem_alloc : memref<!tpu.dma_semaphore, #tpu.memory_space<semaphore_mem>>
      %dma_start3A = arith.constant 0 : i32
      %dma_start3A_57 = arith.constant 0 : i32
      %dma_start3A_58 = tpu.memref_slice %arg9[%dma_start3A, %dma_start3A_57] : memref<1280x16xf32, #tpu.memory_space<vmem>> -> memref<1152x16xf32, #tpu.memory_space<vmem>>
      %dma_start3A_59 = arith.constant 0 : i32
      %dma_start3A_60 = tpu.memref_slice %arg6[%arg0, %add3A_56, %dma_start3A_59] : memref<2x100352x16xf32, #tpu.memory_space<hbm>> -> memref<1x1152x16xf32, #tpu.memory_space<hbm>>
      %dma_start3A_61 = tpu.memref_squeeze %dma_start3A_60 : memref<1x1152x16xf32, #tpu.memory_space<hbm>> -> memref<1152x16xf32, #tpu.memory_space<hbm>>
      %dma_start3A_62 = arith.constant 0 : i32
      %dma_start3A_63 = tpu.memref_slice %arg6[%arg0, %add3A_56, %dma_start3A_62] : memref<2x100352x16xf32, #tpu.memory_space<hbm>> -> memref<1x1152x16xf32, #tpu.memory_space<hbm>>
      %dma_start3A_64 = tpu.memref_squeeze %dma_start3A_63 : memref<1x1152x16xf32, #tpu.memory_space<hbm>> -> memref<1152x16xf32, #tpu.memory_space<hbm>>
      %dma_start3A_65 = arith.constant 0 : i32
      %dma_start3A_66 = arith.constant 0 : i32
      %dma_start3A_67 = tpu.memref_slice %arg9[%dma_start3A_65, %dma_start3A_66] : memref<1280x16xf32, #tpu.memory_space<vmem>> -> memref<1152x16xf32, #tpu.memory_space<vmem>>
      tpu.enqueue_dma source(%dma_start3A_67 : memref<1152x16xf32, #tpu.memory_space<vmem>>) target(%dma_start3A_64 : memref<1152x16xf32, #tpu.memory_space<hbm>>) target_semaphore(%run_scoped3A : memref<!tpu.dma_semaphore, #tpu.memory_space<semaphore_mem>>)
      %dma_wait3A = arith.constant 0 : i32
      %dma_wait3A_68 = arith.constant 0 : i32
      %dma_wait3A_69 = tpu.memref_slice %arg9[%dma_wait3A, %dma_wait3A_68] : memref<1280x16xf32, #tpu.memory_space<vmem>> -> memref<1152x16xf32, #tpu.memory_space<vmem>>
      %dma_wait3A_70 = arith.constant 0 : i32
      %dma_wait3A_71 = tpu.memref_slice %arg6[%arg0, %add3A_56, %dma_wait3A_70] : memref<2x100352x16xf32, #tpu.memory_space<hbm>> -> memref<1x1152x16xf32, #tpu.memory_space<hbm>>
      %dma_wait3A_72 = tpu.memref_squeeze %dma_wait3A_71 : memref<1x1152x16xf32, #tpu.memory_space<hbm>> -> memref<1152x16xf32, #tpu.memory_space<hbm>>
      %dma_wait3A_73 = arith.constant 0 : i32
      %dma_wait3A_74 = tpu.memref_slice %arg6[%arg0, %add3A_56, %dma_wait3A_73] : memref<2x100352x16xf32, #tpu.memory_space<hbm>> -> memref<1x1152x16xf32, #tpu.memory_space<hbm>>
      %dma_wait3A_75 = tpu.memref_squeeze %dma_wait3A_74 : memref<1x1152x16xf32, #tpu.memory_space<hbm>> -> memref<1152x16xf32, #tpu.memory_space<hbm>>
      %dma_wait3A_76 = arith.constant 0 : i32
      %dma_wait3A_77 = arith.constant 0 : i32
      %dma_wait3A_78 = tpu.memref_slice %arg9[%dma_wait3A_76, %dma_wait3A_77] : memref<1280x16xf32, #tpu.memory_space<vmem>> -> memref<1152x16xf32, #tpu.memory_space<vmem>>
      tpu.wait_dma2 semaphore(%run_scoped3A : memref<!tpu.dma_semaphore, #tpu.memory_space<semaphore_mem>>) src(%dma_wait3A_78 : memref<1152x16xf32, #tpu.memory_space<vmem>>) dst(%dma_wait3A_75 : memref<1152x16xf32, #tpu.memory_space<hbm>>)
      tpu.yield
    }) : () -> ()
    return
  }
}

#map = affine_map<(d0, d1) -> (0, 0)>
#map1 = affine_map<(d0, d1) -> (0)>
#map2 = affine_map<(d0, d1) -> (0, 0, 0)>
module attributes {stable_mosaic.version = 14 : i64} {
  func.func @_sc_agg(%arg0: i32, %arg1: i32, %arg2: memref<100352x8xf32, #tpu.memory_space<hbm>>, %arg3: memref<3276800xi32, #tpu.memory_space<hbm>>, %arg4: memref<3276800xi32, #tpu.memory_space<hbm>>, %arg5: memref<1280x8xf32, #tpu.memory_space<hbm>>, %arg6: memref<2x100352x8xf32, #tpu.memory_space<hbm>>, %arg7: memref<1280xi32, #tpu.memory_space<vmem>>, %arg8: memref<1280xi32, #tpu.memory_space<vmem>>, %arg9: memref<1280x8xf32, #tpu.memory_space<vmem>>, %arg10: memref<100352x8xf32, #tpu.memory_space<vmem_shared>>, %arg11: memref<!tpu.dma_semaphore, #tpu.memory_space<semaphore_mem>>, %arg12: memref<!tpu.dma_semaphore, #tpu.memory_space<semaphore_mem>>) attributes {dimension_semantics = [#tpu.dimension_semantics<core_parallel>, #tpu.dimension_semantics<subcore_parallel>], iteration_bounds = array<i64: 2, 16>, scalar_prefetch = 0 : i64, scratch_operands = 6 : i64, tpu.core_type = #tpu.core_type<sc_vector_subcore>, window_params = [{transform_indices = #map}, {transform_indices = #map1}, {transform_indices = #map1}, {transform_indices = #map}, {transform_indices = #map2}]} {
    "tpu.region"() ({
      %run_scoped3A = tpu.sem_alloc : memref<!tpu.dma_semaphore, #tpu.memory_space<semaphore_mem>>
      tpu.enqueue_dma source(%arg5 : memref<1280x8xf32, #tpu.memory_space<hbm>>) target(%arg9 : memref<1280x8xf32, #tpu.memory_space<vmem>>) target_semaphore(%run_scoped3A : memref<!tpu.dma_semaphore, #tpu.memory_space<semaphore_mem>>)
      tpu.wait_dma2 semaphore(%run_scoped3A : memref<!tpu.dma_semaphore, #tpu.memory_space<semaphore_mem>>) src(%arg5 : memref<1280x8xf32, #tpu.memory_space<hbm>>) dst(%arg9 : memref<1280x8xf32, #tpu.memory_space<vmem>>)
      tpu.yield
    }) : () -> ()
    %mul3A = arith.constant 6272 : i32
    %mul3A_0 = arith.muli %arg1, %mul3A : i32
    %add3A = arith.constant 0 : i32
    %add3A_1 = arith.addi %mul3A_0, %add3A : i32
    "tpu.region"() ({
      %run_scoped3A = tpu.sem_alloc : memref<!tpu.dma_semaphore, #tpu.memory_space<semaphore_mem>>
      %dma_start3A = arith.constant 0 : i32
      %dma_start3A_57 = tpu.memref_slice %arg10[%add3A_1, %dma_start3A] : memref<100352x8xf32, #tpu.memory_space<vmem_shared>> -> memref<1280x8xf32, #tpu.memory_space<vmem_shared>>
      %dma_start3A_58 = arith.constant 0 : i32
      %dma_start3A_59 = tpu.memref_slice %arg10[%add3A_1, %dma_start3A_58] : memref<100352x8xf32, #tpu.memory_space<vmem_shared>> -> memref<1280x8xf32, #tpu.memory_space<vmem_shared>>
      tpu.enqueue_dma source(%arg9 : memref<1280x8xf32, #tpu.memory_space<vmem>>) target(%dma_start3A_59 : memref<1280x8xf32, #tpu.memory_space<vmem_shared>>) target_semaphore(%run_scoped3A : memref<!tpu.dma_semaphore, #tpu.memory_space<semaphore_mem>>)
      %dma_wait3A = arith.constant 0 : i32
      %dma_wait3A_60 = tpu.memref_slice %arg10[%add3A_1, %dma_wait3A] : memref<100352x8xf32, #tpu.memory_space<vmem_shared>> -> memref<1280x8xf32, #tpu.memory_space<vmem_shared>>
      %dma_wait3A_61 = arith.constant 0 : i32
      %dma_wait3A_62 = tpu.memref_slice %arg10[%add3A_1, %dma_wait3A_61] : memref<100352x8xf32, #tpu.memory_space<vmem_shared>> -> memref<1280x8xf32, #tpu.memory_space<vmem_shared>>
      tpu.wait_dma2 semaphore(%run_scoped3A : memref<!tpu.dma_semaphore, #tpu.memory_space<semaphore_mem>>) src(%arg9 : memref<1280x8xf32, #tpu.memory_space<vmem>>) dst(%dma_wait3A_62 : memref<1280x8xf32, #tpu.memory_space<vmem_shared>>)
      tpu.yield
    }) : () -> ()
    %mul3A_2 = arith.constant 6272 : i32
    %mul3A_3 = arith.muli %arg1, %mul3A_2 : i32
    %add3A_4 = arith.constant 1280 : i32
    %add3A_5 = arith.addi %mul3A_3, %add3A_4 : i32
    "tpu.region"() ({
      %run_scoped3A = tpu.sem_alloc : memref<!tpu.dma_semaphore, #tpu.memory_space<semaphore_mem>>
      %dma_start3A = arith.constant 0 : i32
      %dma_start3A_57 = tpu.memref_slice %arg10[%add3A_5, %dma_start3A] : memref<100352x8xf32, #tpu.memory_space<vmem_shared>> -> memref<1280x8xf32, #tpu.memory_space<vmem_shared>>
      %dma_start3A_58 = arith.constant 0 : i32
      %dma_start3A_59 = tpu.memref_slice %arg10[%add3A_5, %dma_start3A_58] : memref<100352x8xf32, #tpu.memory_space<vmem_shared>> -> memref<1280x8xf32, #tpu.memory_space<vmem_shared>>
      tpu.enqueue_dma source(%arg9 : memref<1280x8xf32, #tpu.memory_space<vmem>>) target(%dma_start3A_59 : memref<1280x8xf32, #tpu.memory_space<vmem_shared>>) target_semaphore(%run_scoped3A : memref<!tpu.dma_semaphore, #tpu.memory_space<semaphore_mem>>)
      %dma_wait3A = arith.constant 0 : i32
      %dma_wait3A_60 = tpu.memref_slice %arg10[%add3A_5, %dma_wait3A] : memref<100352x8xf32, #tpu.memory_space<vmem_shared>> -> memref<1280x8xf32, #tpu.memory_space<vmem_shared>>
      %dma_wait3A_61 = arith.constant 0 : i32
      %dma_wait3A_62 = tpu.memref_slice %arg10[%add3A_5, %dma_wait3A_61] : memref<100352x8xf32, #tpu.memory_space<vmem_shared>> -> memref<1280x8xf32, #tpu.memory_space<vmem_shared>>
      tpu.wait_dma2 semaphore(%run_scoped3A : memref<!tpu.dma_semaphore, #tpu.memory_space<semaphore_mem>>) src(%arg9 : memref<1280x8xf32, #tpu.memory_space<vmem>>) dst(%dma_wait3A_62 : memref<1280x8xf32, #tpu.memory_space<vmem_shared>>)
      tpu.yield
    }) : () -> ()
    %mul3A_6 = arith.constant 6272 : i32
    %mul3A_7 = arith.muli %arg1, %mul3A_6 : i32
    %add3A_8 = arith.constant 2560 : i32
    %add3A_9 = arith.addi %mul3A_7, %add3A_8 : i32
    "tpu.region"() ({
      %run_scoped3A = tpu.sem_alloc : memref<!tpu.dma_semaphore, #tpu.memory_space<semaphore_mem>>
      %dma_start3A = arith.constant 0 : i32
      %dma_start3A_57 = tpu.memref_slice %arg10[%add3A_9, %dma_start3A] : memref<100352x8xf32, #tpu.memory_space<vmem_shared>> -> memref<1280x8xf32, #tpu.memory_space<vmem_shared>>
      %dma_start3A_58 = arith.constant 0 : i32
      %dma_start3A_59 = tpu.memref_slice %arg10[%add3A_9, %dma_start3A_58] : memref<100352x8xf32, #tpu.memory_space<vmem_shared>> -> memref<1280x8xf32, #tpu.memory_space<vmem_shared>>
      tpu.enqueue_dma source(%arg9 : memref<1280x8xf32, #tpu.memory_space<vmem>>) target(%dma_start3A_59 : memref<1280x8xf32, #tpu.memory_space<vmem_shared>>) target_semaphore(%run_scoped3A : memref<!tpu.dma_semaphore, #tpu.memory_space<semaphore_mem>>)
      %dma_wait3A = arith.constant 0 : i32
      %dma_wait3A_60 = tpu.memref_slice %arg10[%add3A_9, %dma_wait3A] : memref<100352x8xf32, #tpu.memory_space<vmem_shared>> -> memref<1280x8xf32, #tpu.memory_space<vmem_shared>>
      %dma_wait3A_61 = arith.constant 0 : i32
      %dma_wait3A_62 = tpu.memref_slice %arg10[%add3A_9, %dma_wait3A_61] : memref<100352x8xf32, #tpu.memory_space<vmem_shared>> -> memref<1280x8xf32, #tpu.memory_space<vmem_shared>>
      tpu.wait_dma2 semaphore(%run_scoped3A : memref<!tpu.dma_semaphore, #tpu.memory_space<semaphore_mem>>) src(%arg9 : memref<1280x8xf32, #tpu.memory_space<vmem>>) dst(%dma_wait3A_62 : memref<1280x8xf32, #tpu.memory_space<vmem_shared>>)
      tpu.yield
    }) : () -> ()
    %mul3A_10 = arith.constant 6272 : i32
    %mul3A_11 = arith.muli %arg1, %mul3A_10 : i32
    %add3A_12 = arith.constant 3840 : i32
    %add3A_13 = arith.addi %mul3A_11, %add3A_12 : i32
    "tpu.region"() ({
      %run_scoped3A = tpu.sem_alloc : memref<!tpu.dma_semaphore, #tpu.memory_space<semaphore_mem>>
      %dma_start3A = arith.constant 0 : i32
      %dma_start3A_57 = tpu.memref_slice %arg10[%add3A_13, %dma_start3A] : memref<100352x8xf32, #tpu.memory_space<vmem_shared>> -> memref<1280x8xf32, #tpu.memory_space<vmem_shared>>
      %dma_start3A_58 = arith.constant 0 : i32
      %dma_start3A_59 = tpu.memref_slice %arg10[%add3A_13, %dma_start3A_58] : memref<100352x8xf32, #tpu.memory_space<vmem_shared>> -> memref<1280x8xf32, #tpu.memory_space<vmem_shared>>
      tpu.enqueue_dma source(%arg9 : memref<1280x8xf32, #tpu.memory_space<vmem>>) target(%dma_start3A_59 : memref<1280x8xf32, #tpu.memory_space<vmem_shared>>) target_semaphore(%run_scoped3A : memref<!tpu.dma_semaphore, #tpu.memory_space<semaphore_mem>>)
      %dma_wait3A = arith.constant 0 : i32
      %dma_wait3A_60 = tpu.memref_slice %arg10[%add3A_13, %dma_wait3A] : memref<100352x8xf32, #tpu.memory_space<vmem_shared>> -> memref<1280x8xf32, #tpu.memory_space<vmem_shared>>
      %dma_wait3A_61 = arith.constant 0 : i32
      %dma_wait3A_62 = tpu.memref_slice %arg10[%add3A_13, %dma_wait3A_61] : memref<100352x8xf32, #tpu.memory_space<vmem_shared>> -> memref<1280x8xf32, #tpu.memory_space<vmem_shared>>
      tpu.wait_dma2 semaphore(%run_scoped3A : memref<!tpu.dma_semaphore, #tpu.memory_space<semaphore_mem>>) src(%arg9 : memref<1280x8xf32, #tpu.memory_space<vmem>>) dst(%dma_wait3A_62 : memref<1280x8xf32, #tpu.memory_space<vmem_shared>>)
      tpu.yield
    }) : () -> ()
    %mul3A_14 = arith.constant 6272 : i32
    %mul3A_15 = arith.muli %arg1, %mul3A_14 : i32
    %add3A_16 = arith.constant 5120 : i32
    %add3A_17 = arith.addi %mul3A_15, %add3A_16 : i32
    "tpu.region"() ({
      %run_scoped3A = tpu.sem_alloc : memref<!tpu.dma_semaphore, #tpu.memory_space<semaphore_mem>>
      %dma_start3A = arith.constant 0 : i32
      %dma_start3A_57 = arith.constant 0 : i32
      %dma_start3A_58 = tpu.memref_slice %arg9[%dma_start3A, %dma_start3A_57] : memref<1280x8xf32, #tpu.memory_space<vmem>> -> memref<1152x8xf32, #tpu.memory_space<vmem>>
      %dma_start3A_59 = arith.constant 0 : i32
      %dma_start3A_60 = tpu.memref_slice %arg10[%add3A_17, %dma_start3A_59] : memref<100352x8xf32, #tpu.memory_space<vmem_shared>> -> memref<1152x8xf32, #tpu.memory_space<vmem_shared>>
      %dma_start3A_61 = arith.constant 0 : i32
      %dma_start3A_62 = tpu.memref_slice %arg10[%add3A_17, %dma_start3A_61] : memref<100352x8xf32, #tpu.memory_space<vmem_shared>> -> memref<1152x8xf32, #tpu.memory_space<vmem_shared>>
      %dma_start3A_63 = arith.constant 0 : i32
      %dma_start3A_64 = arith.constant 0 : i32
      %dma_start3A_65 = tpu.memref_slice %arg9[%dma_start3A_63, %dma_start3A_64] : memref<1280x8xf32, #tpu.memory_space<vmem>> -> memref<1152x8xf32, #tpu.memory_space<vmem>>
      tpu.enqueue_dma source(%dma_start3A_65 : memref<1152x8xf32, #tpu.memory_space<vmem>>) target(%dma_start3A_62 : memref<1152x8xf32, #tpu.memory_space<vmem_shared>>) target_semaphore(%run_scoped3A : memref<!tpu.dma_semaphore, #tpu.memory_space<semaphore_mem>>)
      %dma_wait3A = arith.constant 0 : i32
      %dma_wait3A_66 = arith.constant 0 : i32
      %dma_wait3A_67 = tpu.memref_slice %arg9[%dma_wait3A, %dma_wait3A_66] : memref<1280x8xf32, #tpu.memory_space<vmem>> -> memref<1152x8xf32, #tpu.memory_space<vmem>>
      %dma_wait3A_68 = arith.constant 0 : i32
      %dma_wait3A_69 = tpu.memref_slice %arg10[%add3A_17, %dma_wait3A_68] : memref<100352x8xf32, #tpu.memory_space<vmem_shared>> -> memref<1152x8xf32, #tpu.memory_space<vmem_shared>>
      %dma_wait3A_70 = arith.constant 0 : i32
      %dma_wait3A_71 = tpu.memref_slice %arg10[%add3A_17, %dma_wait3A_70] : memref<100352x8xf32, #tpu.memory_space<vmem_shared>> -> memref<1152x8xf32, #tpu.memory_space<vmem_shared>>
      %dma_wait3A_72 = arith.constant 0 : i32
      %dma_wait3A_73 = arith.constant 0 : i32
      %dma_wait3A_74 = tpu.memref_slice %arg9[%dma_wait3A_72, %dma_wait3A_73] : memref<1280x8xf32, #tpu.memory_space<vmem>> -> memref<1152x8xf32, #tpu.memory_space<vmem>>
      tpu.wait_dma2 semaphore(%run_scoped3A : memref<!tpu.dma_semaphore, #tpu.memory_space<semaphore_mem>>) src(%dma_wait3A_74 : memref<1152x8xf32, #tpu.memory_space<vmem>>) dst(%dma_wait3A_71 : memref<1152x8xf32, #tpu.memory_space<vmem_shared>>)
      tpu.yield
    }) : () -> ()
    %barrier3A = arith.constant 0 : index
    tpu.barrier barrier_id(%barrier3A)
    %eq3A = arith.constant 0 : i32
    %eq3A_18 = arith.cmpi eq, %arg0, %eq3A : i32
    %mul3A_19 = arith.constant 1200 : i32
    %mul3A_20 = arith.muli %arg1, %mul3A_19 : i32
    %mul3A_21 = arith.constant 400 : i32
    %mul3A_22 = arith.muli %arg1, %mul3A_21 : i32
    %add3A_23 = arith.constant 19200 : i32
    %add3A_24 = arith.addi %add3A_23, %mul3A_22 : i32
    %select_n3A = arith.select %eq3A_18, %mul3A_20, %add3A_24 : i32
    %jit3A = arith.constant 120 : i32
    %jit3A_25 = arith.constant 40 : i32
    %select_n3A_26 = arith.select %eq3A_18, %jit3A, %jit3A_25 : i32
    %while3A = arith.constant 0 : i32
    %while3A_27 = arith.constant 0 : i32
    %while3A_28 = arith.subi %select_n3A_26, %while3A_27 : i32
    %while3A_29 = arith.addi %while3A_27, %while3A_28 : i32
    %while3A_30 = arith.constant 1 : i32
    %while3A_31 = arith.divsi %while3A_28, %while3A_30 : i32
    %while3A_32 = arith.muli %while3A_31, %while3A_30 : i32
    %while3A_33 = arith.addi %while3A_27, %while3A_32 : i32
    %while3A_34 = arith.constant 1 : i32
    scf.for %while3A_57 = %while3A_27 to %while3A_33 step %while3A_34  : i32 {
      %mul3A_58 = arith.constant 10 : i32
      %mul3A_59 = arith.muli %while3A_57, %mul3A_58 : i32
      %add3A_60 = arith.addi %select_n3A, %mul3A_59 : i32
      %mul3A_61 = arith.constant 128 : i32
      %mul3A_62 = arith.muli %add3A_60, %mul3A_61 : i32
      "tpu.region"() ({
        %run_scoped3A = tpu.sem_alloc : memref<!tpu.dma_semaphore, #tpu.memory_space<semaphore_mem>>
        %dma_start3A_73 = tpu.memref_slice %arg3[%mul3A_62] : memref<3276800xi32, #tpu.memory_space<hbm>> -> memref<1280xi32, #tpu.memory_space<hbm>>
        %dma_start3A_74 = tpu.memref_slice %arg3[%mul3A_62] : memref<3276800xi32, #tpu.memory_space<hbm>> -> memref<1280xi32, #tpu.memory_space<hbm>>
        tpu.enqueue_dma source(%dma_start3A_74 : memref<1280xi32, #tpu.memory_space<hbm>>) target(%arg7 : memref<1280xi32, #tpu.memory_space<vmem>>) target_semaphore(%run_scoped3A : memref<!tpu.dma_semaphore, #tpu.memory_space<semaphore_mem>>)
        %dma_wait3A_75 = tpu.memref_slice %arg3[%mul3A_62] : memref<3276800xi32, #tpu.memory_space<hbm>> -> memref<1280xi32, #tpu.memory_space<hbm>>
        %dma_wait3A_76 = tpu.memref_slice %arg3[%mul3A_62] : memref<3276800xi32, #tpu.memory_space<hbm>> -> memref<1280xi32, #tpu.memory_space<hbm>>
        tpu.wait_dma2 semaphore(%run_scoped3A : memref<!tpu.dma_semaphore, #tpu.memory_space<semaphore_mem>>) src(%dma_wait3A_76 : memref<1280xi32, #tpu.memory_space<hbm>>) dst(%arg7 : memref<1280xi32, #tpu.memory_space<vmem>>)
        tpu.yield
      }) : () -> ()
      "tpu.region"() ({
        %run_scoped3A = tpu.sem_alloc : memref<!tpu.dma_semaphore, #tpu.memory_space<semaphore_mem>>
        %dma_start3A_73 = tpu.memref_slice %arg4[%mul3A_62] : memref<3276800xi32, #tpu.memory_space<hbm>> -> memref<1280xi32, #tpu.memory_space<hbm>>
        %dma_start3A_74 = tpu.memref_slice %arg4[%mul3A_62] : memref<3276800xi32, #tpu.memory_space<hbm>> -> memref<1280xi32, #tpu.memory_space<hbm>>
        tpu.enqueue_dma source(%dma_start3A_74 : memref<1280xi32, #tpu.memory_space<hbm>>) target(%arg8 : memref<1280xi32, #tpu.memory_space<vmem>>) target_semaphore(%run_scoped3A : memref<!tpu.dma_semaphore, #tpu.memory_space<semaphore_mem>>)
        %dma_wait3A_75 = tpu.memref_slice %arg4[%mul3A_62] : memref<3276800xi32, #tpu.memory_space<hbm>> -> memref<1280xi32, #tpu.memory_space<hbm>>
        %dma_wait3A_76 = tpu.memref_slice %arg4[%mul3A_62] : memref<3276800xi32, #tpu.memory_space<hbm>> -> memref<1280xi32, #tpu.memory_space<hbm>>
        tpu.wait_dma2 semaphore(%run_scoped3A : memref<!tpu.dma_semaphore, #tpu.memory_space<semaphore_mem>>) src(%dma_wait3A_76 : memref<1280xi32, #tpu.memory_space<hbm>>) dst(%arg8 : memref<1280xi32, #tpu.memory_space<vmem>>)
        tpu.yield
      }) : () -> ()
      %dma_start3A = arith.constant 0 : i32
      %dma_start3A_63 = arith.constant 0 : i32
      %dma_start3A_64 = tpu.memref_slice %arg2[%dma_start3A, %dma_start3A_63] : memref<100352x8xf32, #tpu.memory_space<hbm>> -> memref<100352x8xf32, #tpu.memory_space<hbm>>
      tpu.enqueue_indirect_dma source(%dma_start3A_64 : memref<100352x8xf32, #tpu.memory_space<hbm>>) target(%arg9 : memref<1280x8xf32, #tpu.memory_space<vmem>>) offsets(%arg7 : memref<1280xi32, #tpu.memory_space<vmem>>) semaphore(%arg11 : memref<!tpu.dma_semaphore, #tpu.memory_space<semaphore_mem>>)
      %dma_wait3A = arith.constant 0 : i32
      %dma_wait3A_65 = arith.constant 0 : i32
      %dma_wait3A_66 = tpu.memref_slice %arg2[%dma_wait3A, %dma_wait3A_65] : memref<100352x8xf32, #tpu.memory_space<hbm>> -> memref<100352x8xf32, #tpu.memory_space<hbm>>
      tpu.wait_indirect_dma semaphore(%arg11 : memref<!tpu.dma_semaphore, #tpu.memory_space<semaphore_mem>>) src(%dma_wait3A_66 : memref<100352x8xf32, #tpu.memory_space<hbm>>) dst(%arg9 : memref<1280x8xf32, #tpu.memory_space<vmem>>)
      %dma_start3A_67 = arith.constant 0 : i32
      %dma_start3A_68 = arith.constant 0 : i32
      %dma_start3A_69 = tpu.memref_slice %arg10[%dma_start3A_67, %dma_start3A_68] : memref<100352x8xf32, #tpu.memory_space<vmem_shared>> -> memref<100352x8xf32, #tpu.memory_space<vmem_shared>>
      tpu.enqueue_indirect_dma source(%arg9 : memref<1280x8xf32, #tpu.memory_space<vmem>>) target(%dma_start3A_69 : memref<100352x8xf32, #tpu.memory_space<vmem_shared>>) offsets(%arg8 : memref<1280xi32, #tpu.memory_space<vmem>>) semaphore(%arg12 : memref<!tpu.dma_semaphore, #tpu.memory_space<semaphore_mem>>) {add = true}
      %dma_wait3A_70 = arith.constant 0 : i32
      %dma_wait3A_71 = arith.constant 0 : i32
      %dma_wait3A_72 = tpu.memref_slice %arg10[%dma_wait3A_70, %dma_wait3A_71] : memref<100352x8xf32, #tpu.memory_space<vmem_shared>> -> memref<100352x8xf32, #tpu.memory_space<vmem_shared>>
      tpu.wait_indirect_dma semaphore(%arg12 : memref<!tpu.dma_semaphore, #tpu.memory_space<semaphore_mem>>) src(%arg9 : memref<1280x8xf32, #tpu.memory_space<vmem>>) dst(%dma_wait3A_72 : memref<100352x8xf32, #tpu.memory_space<vmem_shared>>)
    }
    %while3A_35 = arith.constant 1 : i32
    scf.for %while3A_57 = %while3A_33 to %while3A_29 step %while3A_35  : i32 {
      %mul3A_58 = arith.constant 10 : i32
      %mul3A_59 = arith.muli %while3A_57, %mul3A_58 : i32
      %add3A_60 = arith.addi %select_n3A, %mul3A_59 : i32
      %mul3A_61 = arith.constant 128 : i32
      %mul3A_62 = arith.muli %add3A_60, %mul3A_61 : i32
      "tpu.region"() ({
        %run_scoped3A = tpu.sem_alloc : memref<!tpu.dma_semaphore, #tpu.memory_space<semaphore_mem>>
        %dma_start3A_73 = tpu.memref_slice %arg3[%mul3A_62] : memref<3276800xi32, #tpu.memory_space<hbm>> -> memref<1280xi32, #tpu.memory_space<hbm>>
        %dma_start3A_74 = tpu.memref_slice %arg3[%mul3A_62] : memref<3276800xi32, #tpu.memory_space<hbm>> -> memref<1280xi32, #tpu.memory_space<hbm>>
        tpu.enqueue_dma source(%dma_start3A_74 : memref<1280xi32, #tpu.memory_space<hbm>>) target(%arg7 : memref<1280xi32, #tpu.memory_space<vmem>>) target_semaphore(%run_scoped3A : memref<!tpu.dma_semaphore, #tpu.memory_space<semaphore_mem>>)
        %dma_wait3A_75 = tpu.memref_slice %arg3[%mul3A_62] : memref<3276800xi32, #tpu.memory_space<hbm>> -> memref<1280xi32, #tpu.memory_space<hbm>>
        %dma_wait3A_76 = tpu.memref_slice %arg3[%mul3A_62] : memref<3276800xi32, #tpu.memory_space<hbm>> -> memref<1280xi32, #tpu.memory_space<hbm>>
        tpu.wait_dma2 semaphore(%run_scoped3A : memref<!tpu.dma_semaphore, #tpu.memory_space<semaphore_mem>>) src(%dma_wait3A_76 : memref<1280xi32, #tpu.memory_space<hbm>>) dst(%arg7 : memref<1280xi32, #tpu.memory_space<vmem>>)
        tpu.yield
      }) : () -> ()
      "tpu.region"() ({
        %run_scoped3A = tpu.sem_alloc : memref<!tpu.dma_semaphore, #tpu.memory_space<semaphore_mem>>
        %dma_start3A_73 = tpu.memref_slice %arg4[%mul3A_62] : memref<3276800xi32, #tpu.memory_space<hbm>> -> memref<1280xi32, #tpu.memory_space<hbm>>
        %dma_start3A_74 = tpu.memref_slice %arg4[%mul3A_62] : memref<3276800xi32, #tpu.memory_space<hbm>> -> memref<1280xi32, #tpu.memory_space<hbm>>
        tpu.enqueue_dma source(%dma_start3A_74 : memref<1280xi32, #tpu.memory_space<hbm>>) target(%arg8 : memref<1280xi32, #tpu.memory_space<vmem>>) target_semaphore(%run_scoped3A : memref<!tpu.dma_semaphore, #tpu.memory_space<semaphore_mem>>)
        %dma_wait3A_75 = tpu.memref_slice %arg4[%mul3A_62] : memref<3276800xi32, #tpu.memory_space<hbm>> -> memref<1280xi32, #tpu.memory_space<hbm>>
        %dma_wait3A_76 = tpu.memref_slice %arg4[%mul3A_62] : memref<3276800xi32, #tpu.memory_space<hbm>> -> memref<1280xi32, #tpu.memory_space<hbm>>
        tpu.wait_dma2 semaphore(%run_scoped3A : memref<!tpu.dma_semaphore, #tpu.memory_space<semaphore_mem>>) src(%dma_wait3A_76 : memref<1280xi32, #tpu.memory_space<hbm>>) dst(%arg8 : memref<1280xi32, #tpu.memory_space<vmem>>)
        tpu.yield
      }) : () -> ()
      %dma_start3A = arith.constant 0 : i32
      %dma_start3A_63 = arith.constant 0 : i32
      %dma_start3A_64 = tpu.memref_slice %arg2[%dma_start3A, %dma_start3A_63] : memref<100352x8xf32, #tpu.memory_space<hbm>> -> memref<100352x8xf32, #tpu.memory_space<hbm>>
      tpu.enqueue_indirect_dma source(%dma_start3A_64 : memref<100352x8xf32, #tpu.memory_space<hbm>>) target(%arg9 : memref<1280x8xf32, #tpu.memory_space<vmem>>) offsets(%arg7 : memref<1280xi32, #tpu.memory_space<vmem>>) semaphore(%arg11 : memref<!tpu.dma_semaphore, #tpu.memory_space<semaphore_mem>>)
      %dma_wait3A = arith.constant 0 : i32
      %dma_wait3A_65 = arith.constant 0 : i32
      %dma_wait3A_66 = tpu.memref_slice %arg2[%dma_wait3A, %dma_wait3A_65] : memref<100352x8xf32, #tpu.memory_space<hbm>> -> memref<100352x8xf32, #tpu.memory_space<hbm>>
      tpu.wait_indirect_dma semaphore(%arg11 : memref<!tpu.dma_semaphore, #tpu.memory_space<semaphore_mem>>) src(%dma_wait3A_66 : memref<100352x8xf32, #tpu.memory_space<hbm>>) dst(%arg9 : memref<1280x8xf32, #tpu.memory_space<vmem>>)
      %dma_start3A_67 = arith.constant 0 : i32
      %dma_start3A_68 = arith.constant 0 : i32
      %dma_start3A_69 = tpu.memref_slice %arg10[%dma_start3A_67, %dma_start3A_68] : memref<100352x8xf32, #tpu.memory_space<vmem_shared>> -> memref<100352x8xf32, #tpu.memory_space<vmem_shared>>
      tpu.enqueue_indirect_dma source(%arg9 : memref<1280x8xf32, #tpu.memory_space<vmem>>) target(%dma_start3A_69 : memref<100352x8xf32, #tpu.memory_space<vmem_shared>>) offsets(%arg8 : memref<1280xi32, #tpu.memory_space<vmem>>) semaphore(%arg12 : memref<!tpu.dma_semaphore, #tpu.memory_space<semaphore_mem>>) {add = true}
      %dma_wait3A_70 = arith.constant 0 : i32
      %dma_wait3A_71 = arith.constant 0 : i32
      %dma_wait3A_72 = tpu.memref_slice %arg10[%dma_wait3A_70, %dma_wait3A_71] : memref<100352x8xf32, #tpu.memory_space<vmem_shared>> -> memref<100352x8xf32, #tpu.memory_space<vmem_shared>>
      tpu.wait_indirect_dma semaphore(%arg12 : memref<!tpu.dma_semaphore, #tpu.memory_space<semaphore_mem>>) src(%arg9 : memref<1280x8xf32, #tpu.memory_space<vmem>>) dst(%dma_wait3A_72 : memref<100352x8xf32, #tpu.memory_space<vmem_shared>>)
    }
    %barrier3A_36 = arith.constant 0 : index
    tpu.barrier barrier_id(%barrier3A_36)
    %mul3A_37 = arith.constant 6272 : i32
    %mul3A_38 = arith.muli %arg1, %mul3A_37 : i32
    %add3A_39 = arith.constant 0 : i32
    %add3A_40 = arith.addi %mul3A_38, %add3A_39 : i32
    "tpu.region"() ({
      %run_scoped3A = tpu.sem_alloc : memref<!tpu.dma_semaphore, #tpu.memory_space<semaphore_mem>>
      %dma_start3A = arith.constant 0 : i32
      %dma_start3A_57 = tpu.memref_slice %arg10[%add3A_40, %dma_start3A] : memref<100352x8xf32, #tpu.memory_space<vmem_shared>> -> memref<1280x8xf32, #tpu.memory_space<vmem_shared>>
      %dma_start3A_58 = arith.constant 0 : i32
      %dma_start3A_59 = tpu.memref_slice %arg10[%add3A_40, %dma_start3A_58] : memref<100352x8xf32, #tpu.memory_space<vmem_shared>> -> memref<1280x8xf32, #tpu.memory_space<vmem_shared>>
      tpu.enqueue_dma source(%dma_start3A_59 : memref<1280x8xf32, #tpu.memory_space<vmem_shared>>) target(%arg9 : memref<1280x8xf32, #tpu.memory_space<vmem>>) target_semaphore(%run_scoped3A : memref<!tpu.dma_semaphore, #tpu.memory_space<semaphore_mem>>)
      %dma_wait3A = arith.constant 0 : i32
      %dma_wait3A_60 = tpu.memref_slice %arg10[%add3A_40, %dma_wait3A] : memref<100352x8xf32, #tpu.memory_space<vmem_shared>> -> memref<1280x8xf32, #tpu.memory_space<vmem_shared>>
      %dma_wait3A_61 = arith.constant 0 : i32
      %dma_wait3A_62 = tpu.memref_slice %arg10[%add3A_40, %dma_wait3A_61] : memref<100352x8xf32, #tpu.memory_space<vmem_shared>> -> memref<1280x8xf32, #tpu.memory_space<vmem_shared>>
      tpu.wait_dma2 semaphore(%run_scoped3A : memref<!tpu.dma_semaphore, #tpu.memory_space<semaphore_mem>>) src(%dma_wait3A_62 : memref<1280x8xf32, #tpu.memory_space<vmem_shared>>) dst(%arg9 : memref<1280x8xf32, #tpu.memory_space<vmem>>)
      tpu.yield
    }) : () -> ()
    "tpu.region"() ({
      %run_scoped3A = tpu.sem_alloc : memref<!tpu.dma_semaphore, #tpu.memory_space<semaphore_mem>>
      %dma_start3A = arith.constant 0 : i32
      %dma_start3A_57 = tpu.memref_slice %arg6[%arg0, %add3A_40, %dma_start3A] : memref<2x100352x8xf32, #tpu.memory_space<hbm>> -> memref<1x1280x8xf32, #tpu.memory_space<hbm>>
      %dma_start3A_58 = tpu.memref_squeeze %dma_start3A_57 : memref<1x1280x8xf32, #tpu.memory_space<hbm>> -> memref<1280x8xf32, #tpu.memory_space<hbm>>
      %dma_start3A_59 = arith.constant 0 : i32
      %dma_start3A_60 = tpu.memref_slice %arg6[%arg0, %add3A_40, %dma_start3A_59] : memref<2x100352x8xf32, #tpu.memory_space<hbm>> -> memref<1x1280x8xf32, #tpu.memory_space<hbm>>
      %dma_start3A_61 = tpu.memref_squeeze %dma_start3A_60 : memref<1x1280x8xf32, #tpu.memory_space<hbm>> -> memref<1280x8xf32, #tpu.memory_space<hbm>>
      tpu.enqueue_dma source(%arg9 : memref<1280x8xf32, #tpu.memory_space<vmem>>) target(%dma_start3A_61 : memref<1280x8xf32, #tpu.memory_space<hbm>>) target_semaphore(%run_scoped3A : memref<!tpu.dma_semaphore, #tpu.memory_space<semaphore_mem>>)
      %dma_wait3A = arith.constant 0 : i32
      %dma_wait3A_62 = tpu.memref_slice %arg6[%arg0, %add3A_40, %dma_wait3A] : memref<2x100352x8xf32, #tpu.memory_space<hbm>> -> memref<1x1280x8xf32, #tpu.memory_space<hbm>>
      %dma_wait3A_63 = tpu.memref_squeeze %dma_wait3A_62 : memref<1x1280x8xf32, #tpu.memory_space<hbm>> -> memref<1280x8xf32, #tpu.memory_space<hbm>>
      %dma_wait3A_64 = arith.constant 0 : i32
      %dma_wait3A_65 = tpu.memref_slice %arg6[%arg0, %add3A_40, %dma_wait3A_64] : memref<2x100352x8xf32, #tpu.memory_space<hbm>> -> memref<1x1280x8xf32, #tpu.memory_space<hbm>>
      %dma_wait3A_66 = tpu.memref_squeeze %dma_wait3A_65 : memref<1x1280x8xf32, #tpu.memory_space<hbm>> -> memref<1280x8xf32, #tpu.memory_space<hbm>>
      tpu.wait_dma2 semaphore(%run_scoped3A : memref<!tpu.dma_semaphore, #tpu.memory_space<semaphore_mem>>) src(%arg9 : memref<1280x8xf32, #tpu.memory_space<vmem>>) dst(%dma_wait3A_66 : memref<1280x8xf32, #tpu.memory_space<hbm>>)
      tpu.yield
    }) : () -> ()
    %mul3A_41 = arith.constant 6272 : i32
    %mul3A_42 = arith.muli %arg1, %mul3A_41 : i32
    %add3A_43 = arith.constant 1280 : i32
    %add3A_44 = arith.addi %mul3A_42, %add3A_43 : i32
    "tpu.region"() ({
      %run_scoped3A = tpu.sem_alloc : memref<!tpu.dma_semaphore, #tpu.memory_space<semaphore_mem>>
      %dma_start3A = arith.constant 0 : i32
      %dma_start3A_57 = tpu.memref_slice %arg10[%add3A_44, %dma_start3A] : memref<100352x8xf32, #tpu.memory_space<vmem_shared>> -> memref<1280x8xf32, #tpu.memory_space<vmem_shared>>
      %dma_start3A_58 = arith.constant 0 : i32
      %dma_start3A_59 = tpu.memref_slice %arg10[%add3A_44, %dma_start3A_58] : memref<100352x8xf32, #tpu.memory_space<vmem_shared>> -> memref<1280x8xf32, #tpu.memory_space<vmem_shared>>
      tpu.enqueue_dma source(%dma_start3A_59 : memref<1280x8xf32, #tpu.memory_space<vmem_shared>>) target(%arg9 : memref<1280x8xf32, #tpu.memory_space<vmem>>) target_semaphore(%run_scoped3A : memref<!tpu.dma_semaphore, #tpu.memory_space<semaphore_mem>>)
      %dma_wait3A = arith.constant 0 : i32
      %dma_wait3A_60 = tpu.memref_slice %arg10[%add3A_44, %dma_wait3A] : memref<100352x8xf32, #tpu.memory_space<vmem_shared>> -> memref<1280x8xf32, #tpu.memory_space<vmem_shared>>
      %dma_wait3A_61 = arith.constant 0 : i32
      %dma_wait3A_62 = tpu.memref_slice %arg10[%add3A_44, %dma_wait3A_61] : memref<100352x8xf32, #tpu.memory_space<vmem_shared>> -> memref<1280x8xf32, #tpu.memory_space<vmem_shared>>
      tpu.wait_dma2 semaphore(%run_scoped3A : memref<!tpu.dma_semaphore, #tpu.memory_space<semaphore_mem>>) src(%dma_wait3A_62 : memref<1280x8xf32, #tpu.memory_space<vmem_shared>>) dst(%arg9 : memref<1280x8xf32, #tpu.memory_space<vmem>>)
      tpu.yield
    }) : () -> ()
    "tpu.region"() ({
      %run_scoped3A = tpu.sem_alloc : memref<!tpu.dma_semaphore, #tpu.memory_space<semaphore_mem>>
      %dma_start3A = arith.constant 0 : i32
      %dma_start3A_57 = tpu.memref_slice %arg6[%arg0, %add3A_44, %dma_start3A] : memref<2x100352x8xf32, #tpu.memory_space<hbm>> -> memref<1x1280x8xf32, #tpu.memory_space<hbm>>
      %dma_start3A_58 = tpu.memref_squeeze %dma_start3A_57 : memref<1x1280x8xf32, #tpu.memory_space<hbm>> -> memref<1280x8xf32, #tpu.memory_space<hbm>>
      %dma_start3A_59 = arith.constant 0 : i32
      %dma_start3A_60 = tpu.memref_slice %arg6[%arg0, %add3A_44, %dma_start3A_59] : memref<2x100352x8xf32, #tpu.memory_space<hbm>> -> memref<1x1280x8xf32, #tpu.memory_space<hbm>>
      %dma_start3A_61 = tpu.memref_squeeze %dma_start3A_60 : memref<1x1280x8xf32, #tpu.memory_space<hbm>> -> memref<1280x8xf32, #tpu.memory_space<hbm>>
      tpu.enqueue_dma source(%arg9 : memref<1280x8xf32, #tpu.memory_space<vmem>>) target(%dma_start3A_61 : memref<1280x8xf32, #tpu.memory_space<hbm>>) target_semaphore(%run_scoped3A : memref<!tpu.dma_semaphore, #tpu.memory_space<semaphore_mem>>)
      %dma_wait3A = arith.constant 0 : i32
      %dma_wait3A_62 = tpu.memref_slice %arg6[%arg0, %add3A_44, %dma_wait3A] : memref<2x100352x8xf32, #tpu.memory_space<hbm>> -> memref<1x1280x8xf32, #tpu.memory_space<hbm>>
      %dma_wait3A_63 = tpu.memref_squeeze %dma_wait3A_62 : memref<1x1280x8xf32, #tpu.memory_space<hbm>> -> memref<1280x8xf32, #tpu.memory_space<hbm>>
      %dma_wait3A_64 = arith.constant 0 : i32
      %dma_wait3A_65 = tpu.memref_slice %arg6[%arg0, %add3A_44, %dma_wait3A_64] : memref<2x100352x8xf32, #tpu.memory_space<hbm>> -> memref<1x1280x8xf32, #tpu.memory_space<hbm>>
      %dma_wait3A_66 = tpu.memref_squeeze %dma_wait3A_65 : memref<1x1280x8xf32, #tpu.memory_space<hbm>> -> memref<1280x8xf32, #tpu.memory_space<hbm>>
      tpu.wait_dma2 semaphore(%run_scoped3A : memref<!tpu.dma_semaphore, #tpu.memory_space<semaphore_mem>>) src(%arg9 : memref<1280x8xf32, #tpu.memory_space<vmem>>) dst(%dma_wait3A_66 : memref<1280x8xf32, #tpu.memory_space<hbm>>)
      tpu.yield
    }) : () -> ()
    %mul3A_45 = arith.constant 6272 : i32
    %mul3A_46 = arith.muli %arg1, %mul3A_45 : i32
    %add3A_47 = arith.constant 2560 : i32
    %add3A_48 = arith.addi %mul3A_46, %add3A_47 : i32
    "tpu.region"() ({
      %run_scoped3A = tpu.sem_alloc : memref<!tpu.dma_semaphore, #tpu.memory_space<semaphore_mem>>
      %dma_start3A = arith.constant 0 : i32
      %dma_start3A_57 = tpu.memref_slice %arg10[%add3A_48, %dma_start3A] : memref<100352x8xf32, #tpu.memory_space<vmem_shared>> -> memref<1280x8xf32, #tpu.memory_space<vmem_shared>>
      %dma_start3A_58 = arith.constant 0 : i32
      %dma_start3A_59 = tpu.memref_slice %arg10[%add3A_48, %dma_start3A_58] : memref<100352x8xf32, #tpu.memory_space<vmem_shared>> -> memref<1280x8xf32, #tpu.memory_space<vmem_shared>>
      tpu.enqueue_dma source(%dma_start3A_59 : memref<1280x8xf32, #tpu.memory_space<vmem_shared>>) target(%arg9 : memref<1280x8xf32, #tpu.memory_space<vmem>>) target_semaphore(%run_scoped3A : memref<!tpu.dma_semaphore, #tpu.memory_space<semaphore_mem>>)
      %dma_wait3A = arith.constant 0 : i32
      %dma_wait3A_60 = tpu.memref_slice %arg10[%add3A_48, %dma_wait3A] : memref<100352x8xf32, #tpu.memory_space<vmem_shared>> -> memref<1280x8xf32, #tpu.memory_space<vmem_shared>>
      %dma_wait3A_61 = arith.constant 0 : i32
      %dma_wait3A_62 = tpu.memref_slice %arg10[%add3A_48, %dma_wait3A_61] : memref<100352x8xf32, #tpu.memory_space<vmem_shared>> -> memref<1280x8xf32, #tpu.memory_space<vmem_shared>>
      tpu.wait_dma2 semaphore(%run_scoped3A : memref<!tpu.dma_semaphore, #tpu.memory_space<semaphore_mem>>) src(%dma_wait3A_62 : memref<1280x8xf32, #tpu.memory_space<vmem_shared>>) dst(%arg9 : memref<1280x8xf32, #tpu.memory_space<vmem>>)
      tpu.yield
    }) : () -> ()
    "tpu.region"() ({
      %run_scoped3A = tpu.sem_alloc : memref<!tpu.dma_semaphore, #tpu.memory_space<semaphore_mem>>
      %dma_start3A = arith.constant 0 : i32
      %dma_start3A_57 = tpu.memref_slice %arg6[%arg0, %add3A_48, %dma_start3A] : memref<2x100352x8xf32, #tpu.memory_space<hbm>> -> memref<1x1280x8xf32, #tpu.memory_space<hbm>>
      %dma_start3A_58 = tpu.memref_squeeze %dma_start3A_57 : memref<1x1280x8xf32, #tpu.memory_space<hbm>> -> memref<1280x8xf32, #tpu.memory_space<hbm>>
      %dma_start3A_59 = arith.constant 0 : i32
      %dma_start3A_60 = tpu.memref_slice %arg6[%arg0, %add3A_48, %dma_start3A_59] : memref<2x100352x8xf32, #tpu.memory_space<hbm>> -> memref<1x1280x8xf32, #tpu.memory_space<hbm>>
      %dma_start3A_61 = tpu.memref_squeeze %dma_start3A_60 : memref<1x1280x8xf32, #tpu.memory_space<hbm>> -> memref<1280x8xf32, #tpu.memory_space<hbm>>
      tpu.enqueue_dma source(%arg9 : memref<1280x8xf32, #tpu.memory_space<vmem>>) target(%dma_start3A_61 : memref<1280x8xf32, #tpu.memory_space<hbm>>) target_semaphore(%run_scoped3A : memref<!tpu.dma_semaphore, #tpu.memory_space<semaphore_mem>>)
      %dma_wait3A = arith.constant 0 : i32
      %dma_wait3A_62 = tpu.memref_slice %arg6[%arg0, %add3A_48, %dma_wait3A] : memref<2x100352x8xf32, #tpu.memory_space<hbm>> -> memref<1x1280x8xf32, #tpu.memory_space<hbm>>
      %dma_wait3A_63 = tpu.memref_squeeze %dma_wait3A_62 : memref<1x1280x8xf32, #tpu.memory_space<hbm>> -> memref<1280x8xf32, #tpu.memory_space<hbm>>
      %dma_wait3A_64 = arith.constant 0 : i32
      %dma_wait3A_65 = tpu.memref_slice %arg6[%arg0, %add3A_48, %dma_wait3A_64] : memref<2x100352x8xf32, #tpu.memory_space<hbm>> -> memref<1x1280x8xf32, #tpu.memory_space<hbm>>
      %dma_wait3A_66 = tpu.memref_squeeze %dma_wait3A_65 : memref<1x1280x8xf32, #tpu.memory_space<hbm>> -> memref<1280x8xf32, #tpu.memory_space<hbm>>
      tpu.wait_dma2 semaphore(%run_scoped3A : memref<!tpu.dma_semaphore, #tpu.memory_space<semaphore_mem>>) src(%arg9 : memref<1280x8xf32, #tpu.memory_space<vmem>>) dst(%dma_wait3A_66 : memref<1280x8xf32, #tpu.memory_space<hbm>>)
      tpu.yield
    }) : () -> ()
    %mul3A_49 = arith.constant 6272 : i32
    %mul3A_50 = arith.muli %arg1, %mul3A_49 : i32
    %add3A_51 = arith.constant 3840 : i32
    %add3A_52 = arith.addi %mul3A_50, %add3A_51 : i32
    "tpu.region"() ({
      %run_scoped3A = tpu.sem_alloc : memref<!tpu.dma_semaphore, #tpu.memory_space<semaphore_mem>>
      %dma_start3A = arith.constant 0 : i32
      %dma_start3A_57 = tpu.memref_slice %arg10[%add3A_52, %dma_start3A] : memref<100352x8xf32, #tpu.memory_space<vmem_shared>> -> memref<1280x8xf32, #tpu.memory_space<vmem_shared>>
      %dma_start3A_58 = arith.constant 0 : i32
      %dma_start3A_59 = tpu.memref_slice %arg10[%add3A_52, %dma_start3A_58] : memref<100352x8xf32, #tpu.memory_space<vmem_shared>> -> memref<1280x8xf32, #tpu.memory_space<vmem_shared>>
      tpu.enqueue_dma source(%dma_start3A_59 : memref<1280x8xf32, #tpu.memory_space<vmem_shared>>) target(%arg9 : memref<1280x8xf32, #tpu.memory_space<vmem>>) target_semaphore(%run_scoped3A : memref<!tpu.dma_semaphore, #tpu.memory_space<semaphore_mem>>)
      %dma_wait3A = arith.constant 0 : i32
      %dma_wait3A_60 = tpu.memref_slice %arg10[%add3A_52, %dma_wait3A] : memref<100352x8xf32, #tpu.memory_space<vmem_shared>> -> memref<1280x8xf32, #tpu.memory_space<vmem_shared>>
      %dma_wait3A_61 = arith.constant 0 : i32
      %dma_wait3A_62 = tpu.memref_slice %arg10[%add3A_52, %dma_wait3A_61] : memref<100352x8xf32, #tpu.memory_space<vmem_shared>> -> memref<1280x8xf32, #tpu.memory_space<vmem_shared>>
      tpu.wait_dma2 semaphore(%run_scoped3A : memref<!tpu.dma_semaphore, #tpu.memory_space<semaphore_mem>>) src(%dma_wait3A_62 : memref<1280x8xf32, #tpu.memory_space<vmem_shared>>) dst(%arg9 : memref<1280x8xf32, #tpu.memory_space<vmem>>)
      tpu.yield
    }) : () -> ()
    "tpu.region"() ({
      %run_scoped3A = tpu.sem_alloc : memref<!tpu.dma_semaphore, #tpu.memory_space<semaphore_mem>>
      %dma_start3A = arith.constant 0 : i32
      %dma_start3A_57 = tpu.memref_slice %arg6[%arg0, %add3A_52, %dma_start3A] : memref<2x100352x8xf32, #tpu.memory_space<hbm>> -> memref<1x1280x8xf32, #tpu.memory_space<hbm>>
      %dma_start3A_58 = tpu.memref_squeeze %dma_start3A_57 : memref<1x1280x8xf32, #tpu.memory_space<hbm>> -> memref<1280x8xf32, #tpu.memory_space<hbm>>
      %dma_start3A_59 = arith.constant 0 : i32
      %dma_start3A_60 = tpu.memref_slice %arg6[%arg0, %add3A_52, %dma_start3A_59] : memref<2x100352x8xf32, #tpu.memory_space<hbm>> -> memref<1x1280x8xf32, #tpu.memory_space<hbm>>
      %dma_start3A_61 = tpu.memref_squeeze %dma_start3A_60 : memref<1x1280x8xf32, #tpu.memory_space<hbm>> -> memref<1280x8xf32, #tpu.memory_space<hbm>>
      tpu.enqueue_dma source(%arg9 : memref<1280x8xf32, #tpu.memory_space<vmem>>) target(%dma_start3A_61 : memref<1280x8xf32, #tpu.memory_space<hbm>>) target_semaphore(%run_scoped3A : memref<!tpu.dma_semaphore, #tpu.memory_space<semaphore_mem>>)
      %dma_wait3A = arith.constant 0 : i32
      %dma_wait3A_62 = tpu.memref_slice %arg6[%arg0, %add3A_52, %dma_wait3A] : memref<2x100352x8xf32, #tpu.memory_space<hbm>> -> memref<1x1280x8xf32, #tpu.memory_space<hbm>>
      %dma_wait3A_63 = tpu.memref_squeeze %dma_wait3A_62 : memref<1x1280x8xf32, #tpu.memory_space<hbm>> -> memref<1280x8xf32, #tpu.memory_space<hbm>>
      %dma_wait3A_64 = arith.constant 0 : i32
      %dma_wait3A_65 = tpu.memref_slice %arg6[%arg0, %add3A_52, %dma_wait3A_64] : memref<2x100352x8xf32, #tpu.memory_space<hbm>> -> memref<1x1280x8xf32, #tpu.memory_space<hbm>>
      %dma_wait3A_66 = tpu.memref_squeeze %dma_wait3A_65 : memref<1x1280x8xf32, #tpu.memory_space<hbm>> -> memref<1280x8xf32, #tpu.memory_space<hbm>>
      tpu.wait_dma2 semaphore(%run_scoped3A : memref<!tpu.dma_semaphore, #tpu.memory_space<semaphore_mem>>) src(%arg9 : memref<1280x8xf32, #tpu.memory_space<vmem>>) dst(%dma_wait3A_66 : memref<1280x8xf32, #tpu.memory_space<hbm>>)
      tpu.yield
    }) : () -> ()
    %mul3A_53 = arith.constant 6272 : i32
    %mul3A_54 = arith.muli %arg1, %mul3A_53 : i32
    %add3A_55 = arith.constant 5120 : i32
    %add3A_56 = arith.addi %mul3A_54, %add3A_55 : i32
    "tpu.region"() ({
      %run_scoped3A = tpu.sem_alloc : memref<!tpu.dma_semaphore, #tpu.memory_space<semaphore_mem>>
      %dma_start3A = arith.constant 0 : i32
      %dma_start3A_57 = arith.constant 0 : i32
      %dma_start3A_58 = tpu.memref_slice %arg9[%dma_start3A, %dma_start3A_57] : memref<1280x8xf32, #tpu.memory_space<vmem>> -> memref<1152x8xf32, #tpu.memory_space<vmem>>
      %dma_start3A_59 = arith.constant 0 : i32
      %dma_start3A_60 = tpu.memref_slice %arg10[%add3A_56, %dma_start3A_59] : memref<100352x8xf32, #tpu.memory_space<vmem_shared>> -> memref<1152x8xf32, #tpu.memory_space<vmem_shared>>
      %dma_start3A_61 = arith.constant 0 : i32
      %dma_start3A_62 = arith.constant 0 : i32
      %dma_start3A_63 = tpu.memref_slice %arg9[%dma_start3A_61, %dma_start3A_62] : memref<1280x8xf32, #tpu.memory_space<vmem>> -> memref<1152x8xf32, #tpu.memory_space<vmem>>
      %dma_start3A_64 = arith.constant 0 : i32
      %dma_start3A_65 = tpu.memref_slice %arg10[%add3A_56, %dma_start3A_64] : memref<100352x8xf32, #tpu.memory_space<vmem_shared>> -> memref<1152x8xf32, #tpu.memory_space<vmem_shared>>
      tpu.enqueue_dma source(%dma_start3A_65 : memref<1152x8xf32, #tpu.memory_space<vmem_shared>>) target(%dma_start3A_63 : memref<1152x8xf32, #tpu.memory_space<vmem>>) target_semaphore(%run_scoped3A : memref<!tpu.dma_semaphore, #tpu.memory_space<semaphore_mem>>)
      %dma_wait3A = arith.constant 0 : i32
      %dma_wait3A_66 = arith.constant 0 : i32
      %dma_wait3A_67 = tpu.memref_slice %arg9[%dma_wait3A, %dma_wait3A_66] : memref<1280x8xf32, #tpu.memory_space<vmem>> -> memref<1152x8xf32, #tpu.memory_space<vmem>>
      %dma_wait3A_68 = arith.constant 0 : i32
      %dma_wait3A_69 = tpu.memref_slice %arg10[%add3A_56, %dma_wait3A_68] : memref<100352x8xf32, #tpu.memory_space<vmem_shared>> -> memref<1152x8xf32, #tpu.memory_space<vmem_shared>>
      %dma_wait3A_70 = arith.constant 0 : i32
      %dma_wait3A_71 = arith.constant 0 : i32
      %dma_wait3A_72 = tpu.memref_slice %arg9[%dma_wait3A_70, %dma_wait3A_71] : memref<1280x8xf32, #tpu.memory_space<vmem>> -> memref<1152x8xf32, #tpu.memory_space<vmem>>
      %dma_wait3A_73 = arith.constant 0 : i32
      %dma_wait3A_74 = tpu.memref_slice %arg10[%add3A_56, %dma_wait3A_73] : memref<100352x8xf32, #tpu.memory_space<vmem_shared>> -> memref<1152x8xf32, #tpu.memory_space<vmem_shared>>
      tpu.wait_dma2 semaphore(%run_scoped3A : memref<!tpu.dma_semaphore, #tpu.memory_space<semaphore_mem>>) src(%dma_wait3A_74 : memref<1152x8xf32, #tpu.memory_space<vmem_shared>>) dst(%dma_wait3A_72 : memref<1152x8xf32, #tpu.memory_space<vmem>>)
      tpu.yield
    }) : () -> ()
    "tpu.region"() ({
      %run_scoped3A = tpu.sem_alloc : memref<!tpu.dma_semaphore, #tpu.memory_space<semaphore_mem>>
      %dma_start3A = arith.constant 0 : i32
      %dma_start3A_57 = arith.constant 0 : i32
      %dma_start3A_58 = tpu.memref_slice %arg9[%dma_start3A, %dma_start3A_57] : memref<1280x8xf32, #tpu.memory_space<vmem>> -> memref<1152x8xf32, #tpu.memory_space<vmem>>
      %dma_start3A_59 = arith.constant 0 : i32
      %dma_start3A_60 = tpu.memref_slice %arg6[%arg0, %add3A_56, %dma_start3A_59] : memref<2x100352x8xf32, #tpu.memory_space<hbm>> -> memref<1x1152x8xf32, #tpu.memory_space<hbm>>
      %dma_start3A_61 = tpu.memref_squeeze %dma_start3A_60 : memref<1x1152x8xf32, #tpu.memory_space<hbm>> -> memref<1152x8xf32, #tpu.memory_space<hbm>>
      %dma_start3A_62 = arith.constant 0 : i32
      %dma_start3A_63 = tpu.memref_slice %arg6[%arg0, %add3A_56, %dma_start3A_62] : memref<2x100352x8xf32, #tpu.memory_space<hbm>> -> memref<1x1152x8xf32, #tpu.memory_space<hbm>>
      %dma_start3A_64 = tpu.memref_squeeze %dma_start3A_63 : memref<1x1152x8xf32, #tpu.memory_space<hbm>> -> memref<1152x8xf32, #tpu.memory_space<hbm>>
      %dma_start3A_65 = arith.constant 0 : i32
      %dma_start3A_66 = arith.constant 0 : i32
      %dma_start3A_67 = tpu.memref_slice %arg9[%dma_start3A_65, %dma_start3A_66] : memref<1280x8xf32, #tpu.memory_space<vmem>> -> memref<1152x8xf32, #tpu.memory_space<vmem>>
      tpu.enqueue_dma source(%dma_start3A_67 : memref<1152x8xf32, #tpu.memory_space<vmem>>) target(%dma_start3A_64 : memref<1152x8xf32, #tpu.memory_space<hbm>>) target_semaphore(%run_scoped3A : memref<!tpu.dma_semaphore, #tpu.memory_space<semaphore_mem>>)
      %dma_wait3A = arith.constant 0 : i32
      %dma_wait3A_68 = arith.constant 0 : i32
      %dma_wait3A_69 = tpu.memref_slice %arg9[%dma_wait3A, %dma_wait3A_68] : memref<1280x8xf32, #tpu.memory_space<vmem>> -> memref<1152x8xf32, #tpu.memory_space<vmem>>
      %dma_wait3A_70 = arith.constant 0 : i32
      %dma_wait3A_71 = tpu.memref_slice %arg6[%arg0, %add3A_56, %dma_wait3A_70] : memref<2x100352x8xf32, #tpu.memory_space<hbm>> -> memref<1x1152x8xf32, #tpu.memory_space<hbm>>
      %dma_wait3A_72 = tpu.memref_squeeze %dma_wait3A_71 : memref<1x1152x8xf32, #tpu.memory_space<hbm>> -> memref<1152x8xf32, #tpu.memory_space<hbm>>
      %dma_wait3A_73 = arith.constant 0 : i32
      %dma_wait3A_74 = tpu.memref_slice %arg6[%arg0, %add3A_56, %dma_wait3A_73] : memref<2x100352x8xf32, #tpu.memory_space<hbm>> -> memref<1x1152x8xf32, #tpu.memory_space<hbm>>
      %dma_wait3A_75 = tpu.memref_squeeze %dma_wait3A_74 : memref<1x1152x8xf32, #tpu.memory_space<hbm>> -> memref<1152x8xf32, #tpu.memory_space<hbm>>
      %dma_wait3A_76 = arith.constant 0 : i32
      %dma_wait3A_77 = arith.constant 0 : i32
      %dma_wait3A_78 = tpu.memref_slice %arg9[%dma_wait3A_76, %dma_wait3A_77] : memref<1280x8xf32, #tpu.memory_space<vmem>> -> memref<1152x8xf32, #tpu.memory_space<vmem>>
      tpu.wait_dma2 semaphore(%run_scoped3A : memref<!tpu.dma_semaphore, #tpu.memory_space<semaphore_mem>>) src(%dma_wait3A_78 : memref<1152x8xf32, #tpu.memory_space<vmem>>) dst(%dma_wait3A_75 : memref<1152x8xf32, #tpu.memory_space<hbm>>)
      tpu.yield
    }) : () -> ()
    return
  }
}

module attributes {stable_mosaic.version = 14 : i64} {
  func.func @_tc_prep_body(%arg0: i32, %arg1: memref<6272x2xf32, #tpu.memory_space<vmem>>, %arg2: memref<6272x16xf32, #tpu.memory_space<vmem>>, %arg3: memref<6272x16xf32, #tpu.memory_space<vmem>>) attributes {dimension_semantics = [#tpu.dimension_semantics<arbitrary>], iteration_bounds = array<i64: 16>, scalar_prefetch = 0 : i64, scratch_operands = 0 : i64, tpu.core_type = #tpu.core_type<tc>, window_params = [{transform_indices = @transform_0, window_bounds = array<i64: 6272, 2>}, {transform_indices = @transform_1, window_bounds = array<i64: 6272, 16>}, {transform_indices = @transform_2, window_bounds = array<i64: 6272, 16>}]} {
    %get3A = arith.constant 0 : index
    %get3A_0 = arith.constant 0 : index
    %get3A_1 = vector.load %arg1[%get3A, %get3A_0] : memref<6272x2xf32, #tpu.memory_space<vmem>>, vector<6272x1xf32>
    %get3A_2 = arith.constant 0 : index
    %get3A_3 = arith.constant 1 : index
    %get3A_4 = vector.load %arg1[%get3A_2, %get3A_3] : memref<6272x2xf32, #tpu.memory_space<vmem>>, vector<6272x1xf32>
    %add3A = arith.addf %get3A_1, %get3A_4 : vector<6272x1xf32>
    %add3A_5 = arith.constant 1.000000e+00 : f32
    %add3A_6 = vector.broadcast %add3A_5 : f32 to vector<6272x1xf32>
    %add3A_7 = arith.addf %add3A, %add3A_6 : vector<6272x1xf32>
    %rsqrt3A = math.rsqrt %add3A_7 : vector<6272x1xf32>
    %iota3A = tpu.iota {dimensions = array<i32: 0>} : vector<6272x1xi32>
    %mul3A = arith.constant 6272 : i32
    %mul3A_8 = arith.muli %arg0, %mul3A : i32
    %add3A_9 = vector.broadcast %mul3A_8 : i32 to vector<6272x1xi32>
    %add3A_10 = arith.addi %iota3A, %add3A_9 : vector<6272x1xi32>
    %lt3A = arith.constant 100000 : i32
    %lt3A_11 = vector.broadcast %lt3A : i32 to vector<6272x1xi32>
    %lt3A_12 = arith.cmpi slt, %add3A_10, %lt3A_11 : vector<6272x1xi32>
    %jit3A = arith.constant 0.000000e+00 : f32
    %broadcast_in_dim3A = vector.broadcast %jit3A : f32 to vector<6272x1xf32>
    %select_n3A = arith.select %lt3A_12, %rsqrt3A, %broadcast_in_dim3A : vector<6272x1xi1>, vector<6272x1xf32>
    %iota3A_13 = tpu.iota {dimensions = array<i32: 1>} : vector<6272x16xi32>
    %eq3A = arith.constant 15 : i32
    %eq3A_14 = vector.broadcast %eq3A : i32 to vector<6272x16xi32>
    %eq3A_15 = arith.cmpi eq, %iota3A_13, %eq3A_14 : vector<6272x16xi32>
    %get3A_16 = arith.constant 0 : index
    %get3A_17 = arith.constant 0 : index
    %get3A_18 = vector.load %arg2[%get3A_16, %get3A_17] : memref<6272x16xf32, #tpu.memory_space<vmem>>, vector<6272x16xf32>
    %mul3A_19 = vector.broadcast %select_n3A : vector<6272x1xf32> to vector<6272x16xf32>
    %mul3A_20 = arith.mulf %mul3A_19, %get3A_18 : vector<6272x16xf32>
    %broadcast_in_dim3A_21 = vector.shape_cast %select_n3A : vector<6272x1xf32> to vector<6272x1xf32>
    %broadcast_in_dim3A_22 = vector.broadcast %broadcast_in_dim3A_21 : vector<6272x1xf32> to vector<6272x16xf32>
    %select_n3A_23 = arith.select %eq3A_15, %broadcast_in_dim3A_22, %mul3A_20 : vector<6272x16xi1>, vector<6272x16xf32>
    %swap3A = arith.constant 0 : index
    %swap3A_24 = arith.constant 0 : index
    %swap3A_25 = vector.load %arg3[%swap3A, %swap3A_24] : memref<6272x16xf32, #tpu.memory_space<vmem>>, vector<6272x16xf32>
    tpu.vector_store %arg3[%swap3A, %swap3A_24], %select_n3A_23 {strides = array<i32>} : memref<6272x16xf32, #tpu.memory_space<vmem>>, vector<6272x16xf32>,
    return
  }
  func.func @transform_0(%arg0: i32) -> (i32, i32) {
    %c0_i32 = arith.constant 0 : i32
    %c0_i32_0 = arith.constant 0 : i32
    return %arg0, %c0_i32 : i32, i32
  }
  func.func @transform_1(%arg0: i32) -> (i32, i32) {
    %c0_i32 = arith.constant 0 : i32
    %c0_i32_0 = arith.constant 0 : i32
    return %arg0, %c0_i32 : i32, i32
  }
  func.func @transform_2(%arg0: i32) -> (i32, i32) {
    %c0_i32 = arith.constant 0 : i32
    %c0_i32_0 = arith.constant 0 : i32
    return %arg0, %c0_i32 : i32, i32
  }
}

module attributes {stable_mosaic.version = 14 : i64} {
  func.func @_tc_mid_body(%arg0: i32, %arg1: memref<2x6272x16xf32, #tpu.memory_space<vmem>>, %arg2: memref<6272x16xf32, #tpu.memory_space<vmem>>, %arg3: memref<16x35xf32, #tpu.memory_space<vmem>>, %arg4: memref<1x35xf32, #tpu.memory_space<vmem>>, %arg5: memref<35x8xf32, #tpu.memory_space<vmem>>, %arg6: memref<6272x8xf32, #tpu.memory_space<vmem>>) attributes {dimension_semantics = [#tpu.dimension_semantics<arbitrary>], iteration_bounds = array<i64: 16>, scalar_prefetch = 0 : i64, scratch_operands = 0 : i64, tpu.core_type = #tpu.core_type<tc>, window_params = [{transform_indices = @transform_0, window_bounds = array<i64: 2, 6272, 16>}, {transform_indices = @transform_1, window_bounds = array<i64: 6272, 16>}, {pipeline_mode = #tpu.pipeline_mode<synchronous>, transform_indices = @transform_2, window_bounds = array<i64: 16, 35>}, {pipeline_mode = #tpu.pipeline_mode<synchronous>, transform_indices = @transform_3, window_bounds = array<i64: 1, 35>}, {pipeline_mode = #tpu.pipeline_mode<synchronous>, transform_indices = @transform_4, window_bounds = array<i64: 35, 8>}, {transform_indices = @transform_5, window_bounds = array<i64: 6272, 8>}]} {
    %get3A = arith.constant 0 : index
    %get3A_0 = arith.constant 0 : index
    %get3A_1 = vector.load %arg2[%get3A, %get3A_0] : memref<6272x16xf32, #tpu.memory_space<vmem>>, vector<6272x16xf32>
    %slice3A = vector.extract_strided_slice %get3A_1 {offsets = [0, 15], sizes = [6272, 1], strides = [1, 1]} : vector<6272x16xf32> to vector<6272x1xf32>
    %get3A_2 = arith.constant 0 : index
    %get3A_3 = arith.constant 0 : index
    %get3A_4 = arith.constant 0 : index
    %get3A_5 = vector.load %arg1[%get3A_2, %get3A_3, %get3A_4] : memref<2x6272x16xf32, #tpu.memory_space<vmem>>, vector<1x6272x16xf32>
    %get3A_6 = vector.shape_cast %get3A_5 : vector<1x6272x16xf32> to vector<6272x16xf32>
    %get3A_7 = arith.constant 1 : index
    %get3A_8 = arith.constant 0 : index
    %get3A_9 = arith.constant 0 : index
    %get3A_10 = vector.load %arg1[%get3A_7, %get3A_8, %get3A_9] : memref<2x6272x16xf32, #tpu.memory_space<vmem>>, vector<1x6272x16xf32>
    %get3A_11 = vector.shape_cast %get3A_10 : vector<1x6272x16xf32> to vector<6272x16xf32>
    %add3A = arith.addf %get3A_6, %get3A_11 : vector<6272x16xf32>
    %add3A_12 = arith.addf %add3A, %get3A_1 : vector<6272x16xf32>
    %mul3A = vector.broadcast %slice3A : vector<6272x1xf32> to vector<6272x16xf32>
    %mul3A_13 = arith.mulf %mul3A, %add3A_12 : vector<6272x16xf32>
    %get3A_14 = arith.constant 0 : index
    %get3A_15 = arith.constant 0 : index
    %get3A_16 = vector.load %arg3[%get3A_14, %get3A_15] : memref<16x35xf32, #tpu.memory_space<vmem>>, vector<16x35xf32>
    %dot_general3A = arith.constant dense<0.000000e+00> : vector<6272x35xf32>
    %dot_general3A_17 = tpu.matmul %mul3A_13, %get3A_16, %dot_general3A {dimension_numbers = #tpu.dot_dimension_numbers<[1], [0], [0], [1], [0, 0, 1, 1], [], []>, transpose_lhs_hint = false} : vector<6272x16xf32>, vector<16x35xf32>, vector<6272x35xf32> -> vector<6272x35xf32>
    %get3A_18 = arith.constant 0 : index
    %get3A_19 = arith.constant 0 : index
    %get3A_20 = vector.load %arg4[%get3A_18, %get3A_19] : memref<1x35xf32, #tpu.memory_space<vmem>>, vector<1x35xf32>
    %add3A_21 = vector.broadcast %get3A_20 : vector<1x35xf32> to vector<6272x35xf32>
    %add3A_22 = arith.addf %dot_general3A_17, %add3A_21 : vector<6272x35xf32>
    %max3A = arith.constant 0.000000e+00 : f32
    %max3A_23 = vector.broadcast %max3A : f32 to vector<6272x35xf32>
    %max3A_24 = arith.maximumf %add3A_22, %max3A_23 : vector<6272x35xf32>
    %get3A_25 = arith.constant 0 : index
    %get3A_26 = arith.constant 0 : index
    %get3A_27 = vector.load %arg5[%get3A_25, %get3A_26] : memref<35x8xf32, #tpu.memory_space<vmem>>, vector<35x8xf32>
    %dot_general3A_28 = arith.constant dense<0.000000e+00> : vector<6272x8xf32>
    %dot_general3A_29 = tpu.matmul %max3A_24, %get3A_27, %dot_general3A_28 {dimension_numbers = #tpu.dot_dimension_numbers<[1], [0], [0], [1], [0, 0, 1, 1], [], []>, transpose_lhs_hint = false} : vector<6272x35xf32>, vector<35x8xf32>, vector<6272x8xf32> -> vector<6272x8xf32>
    %iota3A = tpu.iota {dimensions = array<i32: 1>} : vector<6272x8xi32>
    %eq3A = arith.constant 2 : i32
    %eq3A_30 = vector.broadcast %eq3A : i32 to vector<6272x8xi32>
    %eq3A_31 = arith.cmpi eq, %iota3A, %eq3A_30 : vector<6272x8xi32>
    %mul3A_32 = vector.broadcast %slice3A : vector<6272x1xf32> to vector<6272x8xf32>
    %mul3A_33 = arith.mulf %mul3A_32, %dot_general3A_29 : vector<6272x8xf32>
    %broadcast_in_dim3A = vector.shape_cast %slice3A : vector<6272x1xf32> to vector<6272x1xf32>
    %broadcast_in_dim3A_34 = vector.broadcast %broadcast_in_dim3A : vector<6272x1xf32> to vector<6272x8xf32>
    %select_n3A = arith.select %eq3A_31, %broadcast_in_dim3A_34, %mul3A_33 : vector<6272x8xi1>, vector<6272x8xf32>
    %swap3A = arith.constant 0 : index
    %swap3A_35 = arith.constant 0 : index
    %swap3A_36 = vector.load %arg6[%swap3A, %swap3A_35] : memref<6272x8xf32, #tpu.memory_space<vmem>>, vector<6272x8xf32>
    tpu.vector_store %arg6[%swap3A, %swap3A_35], %select_n3A {strides = array<i32>} : memref<6272x8xf32, #tpu.memory_space<vmem>>, vector<6272x8xf32>,
    return
  }
  func.func @transform_0(%arg0: i32) -> (i32, i32, i32) {
    %c0_i32 = arith.constant 0 : i32
    %c0_i32_0 = arith.constant 0 : i32
    %c0_i32_1 = arith.constant 0 : i32
    return %c0_i32, %arg0, %c0_i32_0 : i32, i32, i32
  }
  func.func @transform_1(%arg0: i32) -> (i32, i32) {
    %c0_i32 = arith.constant 0 : i32
    %c0_i32_0 = arith.constant 0 : i32
    return %arg0, %c0_i32 : i32, i32
  }
  func.func @transform_2(%arg0: i32) -> (i32, i32) {
    %c0_i32 = arith.constant 0 : i32
    %c0_i32_0 = arith.constant 0 : i32
    %c0_i32_1 = arith.constant 0 : i32
    return %c0_i32, %c0_i32_0 : i32, i32
  }
  func.func @transform_3(%arg0: i32) -> (i32, i32) {
    %c0_i32 = arith.constant 0 : i32
    %c0_i32_0 = arith.constant 0 : i32
    %c0_i32_1 = arith.constant 0 : i32
    return %c0_i32, %c0_i32_0 : i32, i32
  }
  func.func @transform_4(%arg0: i32) -> (i32, i32) {
    %c0_i32 = arith.constant 0 : i32
    %c0_i32_0 = arith.constant 0 : i32
    %c0_i32_1 = arith.constant 0 : i32
    return %c0_i32, %c0_i32_0 : i32, i32
  }
  func.func @transform_5(%arg0: i32) -> (i32, i32) {
    %c0_i32 = arith.constant 0 : i32
    %c0_i32_0 = arith.constant 0 : i32
    return %arg0, %c0_i32 : i32, i32
  }
}

module attributes {stable_mosaic.version = 14 : i64} {
  func.func @_tc_final_body(%arg0: i32, %arg1: memref<2x5000x8xf32, #tpu.memory_space<vmem>>, %arg2: memref<5000x8xf32, #tpu.memory_space<vmem>>, %arg3: memref<1x2xf32, #tpu.memory_space<vmem>>, %arg4: memref<5000x2xf32, #tpu.memory_space<vmem>>) attributes {dimension_semantics = [#tpu.dimension_semantics<arbitrary>], iteration_bounds = array<i64: 20>, scalar_prefetch = 0 : i64, scratch_operands = 0 : i64, tpu.core_type = #tpu.core_type<tc>, window_params = [{transform_indices = @transform_0, window_bounds = array<i64: 2, 5000, 8>}, {transform_indices = @transform_1, window_bounds = array<i64: 5000, 8>}, {pipeline_mode = #tpu.pipeline_mode<synchronous>, transform_indices = @transform_2, window_bounds = array<i64: 1, 2>}, {transform_indices = @transform_3, window_bounds = array<i64: 5000, 2>}]} {
    %get3A = arith.constant 0 : index
    %get3A_0 = arith.constant 0 : index
    %get3A_1 = vector.load %arg2[%get3A, %get3A_0] : memref<5000x8xf32, #tpu.memory_space<vmem>>, vector<5000x8xf32>
    %slice3A = vector.extract_strided_slice %get3A_1 {offsets = [0, 2], sizes = [5000, 1], strides = [1, 1]} : vector<5000x8xf32> to vector<5000x1xf32>
    %get3A_2 = arith.constant 0 : index
    %get3A_3 = arith.constant 0 : index
    %get3A_4 = arith.constant 0 : index
    %get3A_5 = vector.load %arg1[%get3A_2, %get3A_3, %get3A_4] : memref<2x5000x8xf32, #tpu.memory_space<vmem>>, vector<1x5000x8xf32>
    %get3A_6 = vector.shape_cast %get3A_5 : vector<1x5000x8xf32> to vector<5000x8xf32>
    %get3A_7 = arith.constant 1 : index
    %get3A_8 = arith.constant 0 : index
    %get3A_9 = arith.constant 0 : index
    %get3A_10 = vector.load %arg1[%get3A_7, %get3A_8, %get3A_9] : memref<2x5000x8xf32, #tpu.memory_space<vmem>>, vector<1x5000x8xf32>
    %get3A_11 = vector.shape_cast %get3A_10 : vector<1x5000x8xf32> to vector<5000x8xf32>
    %add3A = arith.addf %get3A_6, %get3A_11 : vector<5000x8xf32>
    %add3A_12 = arith.addf %add3A, %get3A_1 : vector<5000x8xf32>
    %mul3A = vector.broadcast %slice3A : vector<5000x1xf32> to vector<5000x8xf32>
    %mul3A_13 = arith.mulf %mul3A, %add3A_12 : vector<5000x8xf32>
    %slice3A_14 = vector.extract_strided_slice %mul3A_13 {offsets = [0, 0], sizes = [5000, 2], strides = [1, 1]} : vector<5000x8xf32> to vector<5000x2xf32>
    %get3A_15 = arith.constant 0 : index
    %get3A_16 = arith.constant 0 : index
    %get3A_17 = vector.load %arg3[%get3A_15, %get3A_16] : memref<1x2xf32, #tpu.memory_space<vmem>>, vector<1x2xf32>
    %add3A_18 = vector.broadcast %get3A_17 : vector<1x2xf32> to vector<5000x2xf32>
    %add3A_19 = arith.addf %slice3A_14, %add3A_18 : vector<5000x2xf32>
    %reduce_max3A = arith.constant dense<0xFF800000> : vector<5000xf32>
    %reduce_max3A_20 = vector.multi_reduction <maximumf>, %add3A_19, %reduce_max3A [1] : vector<5000x2xf32> to vector<5000xf32>
    %broadcast_in_dim3A = vector.shape_cast %reduce_max3A_20 : vector<5000xf32> to vector<5000x1xf32>
    %sub3A = vector.broadcast %broadcast_in_dim3A : vector<5000x1xf32> to vector<5000x2xf32>
    %sub3A_21 = arith.subf %add3A_19, %sub3A : vector<5000x2xf32>
    %exp3A = math.exp %sub3A_21 : vector<5000x2xf32>
    %reduce_sum3A = arith.constant dense<0.000000e+00> : vector<5000xf32>
    %reduce_sum3A_22 = vector.multi_reduction <add>, %exp3A, %reduce_sum3A [1] : vector<5000x2xf32> to vector<5000xf32>
    %broadcast_in_dim3A_23 = vector.shape_cast %reduce_sum3A_22 : vector<5000xf32> to vector<5000x1xf32>
    %log3A = math.log %broadcast_in_dim3A_23 : vector<5000x1xf32>
    %add3A_24 = arith.addf %log3A, %broadcast_in_dim3A : vector<5000x1xf32>
    %sub3A_25 = vector.broadcast %add3A_24 : vector<5000x1xf32> to vector<5000x2xf32>
    %sub3A_26 = arith.subf %add3A_19, %sub3A_25 : vector<5000x2xf32>
    %swap3A = arith.constant 0 : index
    %swap3A_27 = arith.constant 0 : index
    %swap3A_28 = vector.load %arg4[%swap3A, %swap3A_27] : memref<5000x2xf32, #tpu.memory_space<vmem>>, vector<5000x2xf32>
    tpu.vector_store %arg4[%swap3A, %swap3A_27], %sub3A_26 {strides = array<i32>} : memref<5000x2xf32, #tpu.memory_space<vmem>>, vector<5000x2xf32>,
    return
  }
  func.func @transform_0(%arg0: i32) -> (i32, i32, i32) {
    %c0_i32 = arith.constant 0 : i32
    %c0_i32_0 = arith.constant 0 : i32
    %c0_i32_1 = arith.constant 0 : i32
    return %c0_i32, %arg0, %c0_i32_0 : i32, i32, i32
  }
  func.func @transform_1(%arg0: i32) -> (i32, i32) {
    %c0_i32 = arith.constant 0 : i32
    %c0_i32_0 = arith.constant 0 : i32
    return %arg0, %c0_i32 : i32, i32
  }
  func.func @transform_2(%arg0: i32) -> (i32, i32) {
    %c0_i32 = arith.constant 0 : i32
    %c0_i32_0 = arith.constant 0 : i32
    %c0_i32_1 = arith.constant 0 : i32
    return %c0_i32, %c0_i32_0 : i32, i32
  }
  func.func @transform_3(%arg0: i32) -> (i32, i32) {
    %c0_i32 = arith.constant 0 : i32
    %c0_i32_0 = arith.constant 0 : i32
    return %arg0, %c0_i32 : i32, i32
  }
}

</mosaic_0001>

<sc_bundles>
// kernel: kernel.11.cloned.1.call-start
scs
__scs_entry_jumppad:
0x0: {  	(pc) =	sbr.rel $0x88, $3  }
0x1: {  	(tag) =	ssettag $0x0;
	lr =	simm.s32 $0x1  }
0x2: {  	[smem:$0x3F9B] =	sst lr;
	_ =	strace $0xD0000000  }
0x3: {  	_ = 	snop  }
0x4: {  	_ = 	snop  }
0x5: {  	_ = 	snop  }
0x6: {  	_ = 	snop  }
0x7: {  	_ = 	snop  }
__scs_overlays_trampoline_lowered:
0x8: {  	[smem:$0x3FAA] =	sst s0  }
0x9: {  	[smem:$0x3FAB] =	sst s1  }
0xa: {  	[smem:$0x3FAC] =	sst s2  }
0xb: {  	[smem:$0x3FAD] =	sst s3  }
0xc: {  	[smem:$0x3FAE] =	sst s4  }
0xd: {  	[smem:$0x3FAF] =	sst s5  }
0xe: {  	[smem:$0x3FB0] =	sst s6  }
0xf: {  	[smem:$0x3FB1] =	sst s7  }
0x10: {  	[smem:$0x3FB2] =	sst s8  }
0x11: {  	[smem:$0x3FB3] =	sst s9;
	s0 =	simm.s32 @!p0 $0x0  }
0x12: {  	s1 =	sld [smem:$0x3F99];
	s0 =	simm.s32 @p0 $0x1  }
0x13: {  	[smem:$0x3FB4] =	sst s0;
	s0 =	simm.s32 @!p1 $0x0  }
0x14: {  	s2 =	sld [smem:$0x3F98];
	s0 =	simm.s32 @p1 $0x1  }
0x15: {  	[smem:$0x3FB5] =	sst s0;
	s0 =	simm.s32 @!p2 $0x0  }
0x16: {  	s3 =	sld [smem:$0x3FDB];
	s0 =	simm.s32 @p2 $0x1  }
0x17: {  	s4 =	simm.s32 $0x1BF5;
	[smem:$0x3FB7] =	sst s0  }
0x18: {  	s0 =	sld [smem:$0x3F9A];
	_ =	swait.ge [sflag:s4], $0x0  }
0x19: {  	s7 =	sld [smem:$0x3F9B]  }
0x1a: {  	s8 =	sadd.s32 $0xFFFFE003, lr  }
0x1b: {  	s9 =	sadd.s32 $0xFFFFFEF7, lr;
	s5 =	simm.s32 $0xFFFFFFFF;
	p2 =	slt.u32 s8, $0xFFFFF086  }
0x1c: {  	p1 =	slt.u32 s9, $0xF7A;
	s5 =	simm.s32 @!p2 $0x0  }
0x1d: {  	s5 =	simm.s32 @p1 $0x1;
	p0 =	seq.s32 s7, s2  }
0x1e: {  	s7 =	smul.u32 @!p0 $0xF7A, s2;
	p2 =	seq.s32 @!p0 s5, $0x0  }
0x1f: {  	s9 =	smul.u32 $0xF7A, s1;
	s8 =	simm.s32 @!p0 $0x1BF5;
	p2 =	por !p2, p0  }
0x20: {  	[sflag:s8] =	ssyncset.s32 @!p0 $0xFFFFF086;
	s6 =	sadd.s32 @!p0 s3, s7;
	s7 =	simm.s32 @!p0 $0x108  }
0x21: {  	s3 =	sadd.s32 s3, s9;
	s6 =	sadd.s32 @!p0 $0x88, s6;
	s7 =	simm.s32 @p2 $0x1082  }
0x22: {  	[simem:s7], [sflag:s8] =	dma.local @!p0 [hbm:s6], $0xF7A  }
0x23: {  	s9 =	sor.u32 $0xD0000000, s2;
	s6 =	simm.s32 $0x108;
	_ =	swait.ge @!p0 [sflag:s8], $0x0  }
0x24: {  	s3 =	sadd.s32 $0x88, s3;
	s6 =	simm.s32 @!p1 $0x1082;
	[sflag:s4] =	ssyncset.s32 $0xFFFFF086  }
0x25: {  	[simem:s6], [sflag:s4] =	dma.local [hbm:s3], $0xF7A  }
0x26: {  	[smem:$0x3F9B] =	sst s1;
	(tag) =	ssettag s2;
	_ =	strace s9  }
0x27: {  	s1 =	sld [smem:$0x3FAB]  }
0x28: {  	s2 =	sld [smem:$0x3FAC]  }
0x29: {  	s4 =	sld [smem:$0x3FAE]  }
0x2a: {  	p0 =	seq.s32 s5, $0x0;
	s5 =	sld [smem:$0x3FAF]  }
0x2b: {  	s6 =	sld [smem:$0x3FB0]  }
0x2c: {  	s7 =	sld [smem:$0x3FB1]  }
0x2d: {  	s3 =	simm.s32 $0x108;
	s8 =	sld [smem:$0x3FB2]  }
0x2e: {  	s3 =	simm.s32 @!p0 $0x1082;
	s9 =	sld [smem:$0x3FB3]  }
0x2f: {  	lr =	sadd.s32 s0, s3;
	s0 =	sld [smem:$0x3FAA]  }
0x30: {  	s3 =	sld [smem:$0x3FAD]  }
0x31: {  	[smem:$0x3FB6] =	sst s10  }
0x32: {  	s10 =	sld [smem:$0x3FB4];
	_ =	sdelay $0x3  }
0x33: {  	p0 =	seq.s32 s10, $0x1;
	s10 =	sld [smem:$0x3FB6];
	_ =	sdelay $0x3  }
0x34: {  	[smem:$0x3FB6] =	sst s10  }
0x35: {  	s10 =	sld [smem:$0x3FB5];
	_ =	sdelay $0x3  }
0x36: {  	p1 =	seq.s32 s10, $0x1;
	s10 =	sld [smem:$0x3FB6];
	_ =	sdelay $0x3  }
0x37: {  	[smem:$0x3FB6] =	sst s10  }
0x38: {  	s10 =	sld [smem:$0x3FB7]  }
0x39: {  	_ = 	snop;
	(pc) =	sbr.ind lr, $3  }
0x3a: {  	_ = 	snop  }
0x3b: {  	_ = 	snop  }
0x3c: {  	p2 =	seq.s32 s10, $0x1;
	s10 =	sld [smem:$0x3FB6]  }
0x3d: {  	_ =	shalt  }
0x3e: {  	_ =	shalt  }
0x3f: {  	_ =	shalt  }
0x40: {  	_ =	shalt  }
0x41: {  	_ =	shalt  }
0x42: {  	_ =	shalt  }
0x43: {  	_ =	shalt  }
0x44: {  	_ =	shalt  }
0x45: {  	_ =	shalt  }
0x46: {  	_ =	shalt  }
0x47: {  	_ =	shalt  }
0x48: {  	_ =	shalt  }
0x49: {  	_ =	shalt  }
0x4a: {  	_ =	shalt  }
0x4b: {  	_ =	shalt  }
0x4c: {  	_ =	shalt  }
0x4d: {  	_ =	shalt  }
0x4e: {  	_ =	shalt  }
0x4f: {  	_ =	shalt  }
0x50: {  	_ =	shalt  }
0x51: {  	_ =	shalt  }
0x52: {  	_ =	shalt  }
0x53: {  	_ =	shalt  }
0x54: {  	_ =	shalt  }
0x55: {  	_ =	shalt  }
0x56: {  	_ =	shalt  }
0x57: {  	_ =	shalt  }
0x58: {  	_ =	shalt  }
0x59: {  	_ =	shalt  }
0x5a: {  	_ =	shalt  }
0x5b: {  	_ =	shalt  }
0x5c: {  	_ =	shalt  }
0x5d: {  	_ =	shalt  }
0x5e: {  	_ =	shalt  }
0x5f: {  	_ =	shalt  }
0x60: {  	_ =	shalt  }
0x61: {  	_ =	shalt  }
0x62: {  	_ =	shalt  }
0x63: {  	_ =	shalt  }
0x64: {  	_ =	shalt  }
0x65: {  	_ =	shalt  }
0x66: {  	_ =	shalt  }
0x67: {  	_ =	shalt  }
0x68: {  	_ =	shalt  }
0x69: {  	_ =	shalt  }
0x6a: {  	_ =	shalt  }
0x6b: {  	_ =	shalt  }
0x6c: {  	_ =	shalt  }
0x6d: {  	_ =	shalt  }
0x6e: {  	_ =	shalt  }
0x6f: {  	_ =	shalt  }
0x70: {  	_ =	shalt  }
0x71: {  	_ =	shalt  }
0x72: {  	_ =	shalt  }
0x73: {  	_ =	shalt  }
0x74: {  	_ =	shalt  }
0x75: {  	_ =	shalt  }
0x76: {  	_ =	shalt  }
0x77: {  	_ =	shalt  }
0x78: {  	_ =	shalt  }
0x79: {  	_ =	shalt  }
0x7a: {  	_ =	shalt  }
0x7b: {  	_ =	shalt  }
0x7c: {  	_ =	shalt  }
0x7d: {  	_ =	shalt  }
0x7e: {  	_ =	shalt  }
0x7f: {  	_ =	shalt  }
0x80: {  	_ =	shalt  }
0x81: {  	_ =	shalt  }
0x82: {  	_ =	shalt  }
0x83: {  	_ =	shalt  }
0x84: {  	_ =	shalt  }
0x85: {  	_ =	shalt  }
0x86: {  	_ =	shalt  }
0x87: {  	_ =	shalt  }
.Lfunc_end0:
.L_simem_size_0:
called_computation.1_lowered:
.L_overlay_start_0:
0x88: {  	s2 =	sld [smem:$0x3FD9]  }
0x89: {  	s3 =	sld [smem:$0x3FFE];
	_ =	sdelay $0x1  }
0x8a: {  	s1 =	srdreg.scid  }
0x8b: {  	s0 =	sand.u32 $0x1, s1  }
0x8c: {  	s17 =	sshll.u32 s0, $0xA;
	s2 =	sadd.s32 s3, s2  }
0x8d: {  	s2 =	sadd.s32 s2, s17  }
0x8e: {  	[smem:$0x3FC2] =	sst s2  }
0x8f: {  	_ = 	snop  }
0x90: {  	s2 =	sld [smem:$0x3FD0];
	(tm) =	ssettm $0x1  }
0x91: {  	s18 =	sld [smem:$0x3FFB];
	_ =	sdelay $0x3  }
0x92: {  	_ =	strace s18  }
0x93: {  	s3 =	sld [smem:$0x3FFC];
	_ =	sdelay $0x3  }
0x94: {  	_ =	strace s3  }
0x95: {  	s3 =	sld [smem:$0x3FFD];
	_ =	sdelay $0x3  }
0x96: {  	_ =	strace s3  }
0x97: {  	_ =	strace $0x8FFFFFFF  }
0x98: {  	s19 =	sld [smem:$0x3FDB];
	_ =	sdelay $0x1  }
0x99: {  	s4 =	simm.s32 $_scs_section_size  }
0x9a: {  	s5 =	simm.s32 $_size__tile_overlayer_lowered;
	s6 =	simm.s32 $_tile_overlayer_lowered  }
0x9b: {  	s22 =	simm.s32 $0x1BFF;
	s21 =	sshll.u32 s6, $0x1;
	s3 =	sadd.s32 s4, s19  }
0x9c: {  	s7 =	simm.s32 $0x0;
	s20 =	sshll.u32 s5, $0x1;
	s5 =	sadd.s32 s21, s3  }
0x9d: {  	[timem:s7], [sflag:s22] =	dma.local [hbm:s5], s20  }
0x9e: {  	_ =	swait.ge [sflag:s22], s20  }
0x9f: {  	s4 =	ssub.s32 $0x0, s20;
	[sflag:s22] =	ssyncset.done $0x0  }
0xa0: {  	[sflag:s22] =	ssyncadd.s32 s4;
	_ =	sdelay $0x1  }
0xa1: {  	s23 =	simm.s32 $0x1B8B  }
0xa2: {  	_ =	swait.ge [sflag:s23], $0x1  }
0xa3: {  	[sflag:s23] =	ssyncset.done $0x0  }
0xa4: {  	s25 =	simm.s32 $0x1B8E;
	s24 =	sld [smem:$0x3FFE];
	[sflag:s23] =	ssyncadd.s32 $0xFFFFFFFF  }
0xa5: {  	s26 =	simm.s32 $execute0_lowered;
	[smem:$0x3FD2] =	sst s25  }
0xa6: {  	s5 =	sshll.u32 s26, $0x1;
	_ =	strace $0x80000049;
	[dreg:$0x1] =	wrdreg $0xFFFFFFFF  }
0xa7: {  	s28 =	simm.s32 $_size_execute0_lowered;
	s3 =	sadd.s32 s3, s5;
	[dreg:$0x0] =	wrdreg $0x0  }
0xa8: {  	s5 =	sshll.u32 s28, $0x1;
	[dreg:$0x2] =	wrdreg s3  }
0xa9: {  	[dreg:$0x3] =	wrdreg s5  }
0xaa: {  	[dreg:$0x4] =	wrdreg $0xC0  }
0xab: {  	_ =	task [dreg:s7], $0x5FFFF  }
0xac: {  	[dreg:$0x1] =	wrdreg $0xFFFFFFFF  }
0xad: {  	[dreg:$0x0] =	wrdreg $0x60  }
0xae: {  	[dreg:$0x2] =	wrdreg s24  }
0xaf: {  	[dreg:$0x3] =	wrdreg s2  }
0xb0: {  	[dreg:$0x4] =	wrdreg $0x5A000  }
0xb1: {  	[dreg:$0x5] =	wrdreg $0x9  }
0xb2: {  	_ =	task.clear_ibuf [dreg:s7], $0x6FFFF;
	_ =	strace $0x90000049  }
0xb3: {  	s29 =	simm.s32 $0x9;
	_ =	strace $0x8000004B  }
0xb4: {  	_ =	swait.ge [sflag:s29], $0x1  }
0xb5: {  	[sflag:s29] =	ssyncadd.s32 $0xFFFFFFFF  }
0xb6: {  	_ =	strace $0x9000004B  }
0xb7: {  	_ =	sfence  }
0xb8: {  	s30 =	sld [smem:$0x0];
	_ =	sdelay $0x2  }
0xb9: {  	s31 =	sshll.u32 s1, $0xD;
	s1 =	sshrl.u32 s1, $0x2  }
0xba: {  	s3 =	sand.u32 $0x4000, s31;
	s1 =	sadd.s32 s1, s30  }
0xbb: {  	s0 =	sor.u32 s3, s0;
	s1 =	sshll.u32 s1, $0x11  }
0xbc: {  	s0 =	sor.u32 s1, s0  }
0xbd: {  	s0 =	sadd.s32 $0x8F2B, s0  }
0xbe: {  	[sflag:s0] =	ssyncadd.remote.s32 $0x1  }
0xbf: {  	_ =	sfence.sel $0xFFFF  }
0xc0: {  	[dreg:$0x0] =	wrdreg $0xFFFFFFFF;
	(pc) =	sbr.abs _section_cstart, $3  }
0xc1: {  	[dreg:$0x1] =	wrdreg $0xFFFFFFFF  }
0xc2: {  	_ =	task.clear_ibuf [dreg:s7], $0x2FFFF;
	_ =	strace $0x9FFFFFFF  }
0xc3: {  	(tm) =	ssettm $0x7FFFFFFF  }
tec
execute0_lowered:
.L_overlay_start_1:
0x0: {  	(tag) =	ssettag $0x1  }
0x1: {  	s6 =	rddreg [dreg:$0x0]  }
0x2: {  	s2 =	rddreg [dreg:$0x1]  }
0x3: {  	s3 =	rddreg [dreg:$0x2]  }
0x4: {  	s0 =	stileid.u32;
	s4 =	srdreg.scid  }
0x5: {  	s1 =	rddreg [dreg:$0x3];
	s22 =	simm.s32 $0x500;
	s23 =	simm.s32 $0x1  }
0x6: {  	s24 =	simm.s32 $0x2;
	s25 =	simm.s32 $0x0;
	s5 =	smul.u32 $0x190, s0  }
0x7: {  	s8 =	sand.u32 $0x1, s4;
	s7 =	smul.u32 $0x4B0, s0;
	s4 =	simm.s32 $0x0  }
0x8: {  	s11 =	smul.u32 $0x18800, s0;
	s16 =	sadd.s32 $0x100E00, s6;
	p0 =	seq.s32 s8, $0x0  }
0x9: {  	[smem:$0x7FF] =	sst s4;
	s30 =	ssub.s32 $0x2, s8;
	s18 =	smul.u32 $0x188000, s8  }
0xa: {  	s5 =	sadd.s32 $0x4B00, s5;
	_ =	strace $0x8000004A;
	s31 =	sshrl.u32 s30, $0x1  }
0xb: {  	s12 =	sadd.s32 $0x5000, s11;
	s14 =	sadd.s32 $0xA000, s11;
	s15 =	sadd.s32 $0xF000, s11  }
0xc: {  	s20 =	sadd.s32 $0x14000, s11;
	s5 =	smov.u32 @p0 s7;
	s17 =	ssub.s32 s30, s31  }
0xd: {  	s8 =	sadd.s32 s14, s3;
	s9 =	sadd.s32 s15, s3;
	s10 =	sadd.s32 s20, s3  }
0xe: {  	s13 =	sadd.s32 s11, s18;
	s14 =	sadd.s32 s18, s14;
	s15 =	sadd.s32 s18, s15  }
0xf: {  	s7 =	sshll.u32 s5, $0x4;
	s5 =	sadd.s32 $0xCFE00, s6;
	s13 =	sshrl.u32 s13, $0x3  }
0x10: {  	s14 =	sshrl.u32 s14, $0x3;
	s15 =	sshrl.u32 s15, $0x3;
	s17 =	smax.u32 s17, $0x1  }
0x11: {  	s19 =	sadd.s32 s7, s6;
	s6 =	sadd.s32 s11, s3;
	s7 =	sadd.s32 s12, s3  }
0x12: {  	s12 =	sadd.s32 s18, s12;
	s11 =	simm.s32 $0x78;
	s18 =	sadd.s32 s18, s20  }
0x13: {  	s14 =	sadd.s32 s16, s14;
	s15 =	sadd.s32 s16, s15;
	s20 =	simm.s32 $0xA00  }
0x14: {  	s21 =	sshrl.u32 s12, $0x3;
	s11 =	simm.s32 @!p0 $0x28;
	s18 =	sshrl.u32 s18, $0x3  }
0x15: {  	s12 =	sadd.s32 s16, s13;
	s13 =	sadd.s32 s16, s21;
	s16 =	sadd.s32 s16, s18  }
0x16: {  	s18 =	sadd.s32 $0x6BE00, s19;
	s19 =	sadd.s32 $0x1A00, s19;
	s21 =	simm.s32 $0x3  }
.LBB2_1:
0x17: {  	[tilespmem:s20], [sflag:$0x3] =	stream.linear.gather [hbm4b:s2+s4], $0x5000, $0x38;
	[tilespmem:$0x1E200] =	vst v63  }
0x18: {  	_ =	swait.ge [sflag:s21], $0x5000  }
0x19: {  	[sflag:s21] =	ssyncset.done $0x0  }
0x1a: {  	[sflag:s21] =	ssyncadd.s32 $0xFFFFB000  }
0x1b: {  	[spmem:s6] =	stream.linear.scatter [tilespmem:s20], [sflag:$0x3], $0x5000, $0x38;
	[tilespmem:$0x1E200] =	vst v63  }
0x1c: {  	_ =	swait.ge [sflag:s21], $0x5000  }
0x1d: {  	[sflag:s21] =	ssyncset.done $0x0  }
0x1e: {  	[sflag:s21] =	ssyncadd.s32 $0xFFFFB000  }
0x1f: {  	[spmem:s7] =	stream.linear.scatter [tilespmem:s20], [sflag:$0x3], $0x5000, $0x38;
	[tilespmem:$0x1E200] =	vst v63  }
0x20: {  	_ =	swait.ge [sflag:s21], $0x5000  }
0x21: {  	[sflag:s21] =	ssyncset.done $0x0  }
0x22: {  	[sflag:s21] =	ssyncadd.s32 $0xFFFFB000  }
0x23: {  	[spmem:s8] =	stream.linear.scatter [tilespmem:s20], [sflag:$0x3], $0x5000, $0x38;
	[tilespmem:$0x1E200] =	vst v63  }
0x24: {  	_ =	swait.ge [sflag:s21], $0x5000  }
0x25: {  	[sflag:s21] =	ssyncset.done $0x0  }
0x26: {  	[sflag:s21] =	ssyncadd.s32 $0xFFFFB000  }
0x27: {  	[spmem:s9] =	stream.linear.scatter [tilespmem:s20], [sflag:$0x3], $0x5000, $0x38;
	[tilespmem:$0x1E200] =	vst v63  }
0x28: {  	_ =	swait.ge [sflag:s21], $0x5000  }
0x29: {  	[sflag:s21] =	ssyncset.done $0x0  }
0x2a: {  	[sflag:s21] =	ssyncadd.s32 $0xFFFFB000  }
0x2b: {  	[spmem:s10] =	stream.linear.scatter [tilespmem:s20], [sflag:$0x3], $0x4800, $0x38;
	[tilespmem:$0x1E200] =	vst v63  }
0x2c: {  	_ =	swait.ge [sflag:s21], $0x4800  }
0x2d: {  	[sflag:s21] =	ssyncset.done $0x0  }
0x2e: {  	[sflag:s21] =	ssyncadd.s32 $0xFFFFB800  }
0x2f: {  	[bflag:$0x0] =	sbarrier.arrive $0xFFFF  }
0x30: {  	[tilespmem:s4], [sflag:$0x3] =	stream.linear.gather [hbm4b:s18+s4], $0x500, $0x38;
	[tilespmem:$0x1E200] =	vst v63  }
0x31: {  	_ =	swait.ge [sflag:s21], $0x500  }
0x32: {  	[sflag:s21] =	ssyncset.done $0x0  }
0x33: {  	[sflag:s21] =	ssyncadd.s32 $0xFFFFFB00  }
0x34: {  	[tilespmem:s22], [sflag:$0x3] =	stream.linear.gather [hbm4b:s19+s4], $0x500, $0x38;
	[tilespmem:$0x1E200] =	vst v63  }
0x35: {  	_ =	swait.ge [sflag:s21], $0x500  }
0x36: {  	[sflag:s21] =	ssyncset.done $0x0  }
0x37: {  	[sflag:s21] =	ssyncadd.s32 $0xFFFFFB00  }
0x38: {  	[tilespmem:s20], [sflag:$0x1] =	stream.indirect.gather [hbm4b:s5+s22], $0x10, s4, s22, $0xb8;
	[tilespmem:$0x1E200] =	vst v63  }
0x39: {  	p0 =	sne.s32 s11, $0x1;
	_ =	swait.ge [sflag:s23], $0x5000  }
.Ltmp0:
0x3a: {  	[sflag:s23] =	ssyncset.done $0x0;
	(pc) =	sbr.rel @!p0 .LBB2_3-.Ltmp0, $4  }
0x3b: {  	[sflag:s23] =	ssyncadd.s32 $0xFFFFB000  }
0x3c: {  	[spmem:s3] =	stream.indirect.scatter.add.f32 [tilespmem:s20], [sflag:$0x2], $0x10, s22, s22, $0xb8;
	[tilespmem:$0x1E200] =	vst v63  }
0x3d: {  	s26 =	sadd.s32 $0xFFFFFFFF, s11;
	_ =	swait.ge [sflag:s24], $0x5000  }
0x3e: {  	s28 =	smov.u32 s18;
	s29 =	smov.u32 s19;
	[sflag:s24] =	ssyncset.done $0x0  }
.LBB2_2:
0x3f: {  	[sflag:s24] =	ssyncadd.s32 $0xFFFFB000;
	s28 =	sadd.s32 $0xA0, s28;
	s29 =	sadd.s32 $0xA0, s29  }
0x40: {  	[tilespmem:s4], [sflag:$0x3] =	stream.linear.gather [hbm4b:s28+s4], $0x500, $0x38;
	[tilespmem:$0x1E200] =	vst v63  }
0x41: {  	p0 =	sne.s32 s26, $0x1;
	s26 =	sadd.s32 $0xFFFFFFFF, s26;
	_ =	swait.ge [sflag:s21], $0x500  }
0x42: {  	[sflag:s21] =	ssyncset.done $0x0  }
0x43: {  	[sflag:s21] =	ssyncadd.s32 $0xFFFFFB00  }
0x44: {  	[tilespmem:s22], [sflag:$0x3] =	stream.linear.gather [hbm4b:s29+s4], $0x500, $0x38;
	[tilespmem:$0x1E200] =	vst v63  }
0x45: {  	_ =	swait.ge [sflag:s21], $0x500  }
0x46: {  	[sflag:s21] =	ssyncset.done $0x0  }
0x47: {  	[sflag:s21] =	ssyncadd.s32 $0xFFFFFB00  }
0x48: {  	[tilespmem:s20], [sflag:$0x1] =	stream.indirect.gather [hbm4b:s5+s22], $0x10, s4, s22, $0xb8;
	[tilespmem:$0x1E200] =	vst v63  }
0x49: {  	_ =	swait.ge [sflag:s23], $0x5000  }
.Ltmp1:
0x4a: {  	[sflag:s23] =	ssyncset.done $0x0;
	(pc) =	sbr.rel @p0 .LBB2_2-.Ltmp1, $4  }
0x4b: {  	[sflag:s23] =	ssyncadd.s32 $0xFFFFB000  }
0x4c: {  	[spmem:s3] =	stream.indirect.scatter.add.f32 [tilespmem:s20], [sflag:$0x2], $0x10, s22, s22, $0xb8;
	[tilespmem:$0x1E200] =	vst v63  }
0x4d: {  	_ =	swait.ge [sflag:s24], $0x5000  }
0x4e: {  	[sflag:s24] =	ssyncset.done $0x0  }
.LBB2_3:
0x4f: {  	[sflag:s24] =	ssyncadd.s32 $0xFFFFB000  }
0x50: {  	[bflag:$0x0] =	sbarrier.arrive $0xFFFF  }
0x51: {  	[tilespmem:s20], [sflag:$0x3] =	stream.linear.gather [spmem:s6], $0x5000, $0x38;
	[tilespmem:$0x1E200] =	vst v63  }
0x52: {  	_ =	swait.ge [sflag:s21], $0x5000  }
0x53: {  	[sflag:s21] =	ssyncset.done $0x0  }
0x54: {  	[sflag:s21] =	ssyncadd.s32 $0xFFFFB000  }
0x55: {  	[hbm4b:s12+s4] =	stream.linear.scatter [tilespmem:s20], [sflag:$0x3], $0x5000, $0x38;
	[tilespmem:$0x1E200] =	vst v63  }
0x56: {  	_ =	swait.ge [sflag:s21], $0x5000  }
0x57: {  	[sflag:s21] =	ssyncset.done $0x0  }
0x58: {  	[sflag:s21] =	ssyncadd.s32 $0xFFFFB000  }
0x59: {  	[tilespmem:s20], [sflag:$0x3] =	stream.linear.gather [spmem:s7], $0x5000, $0x38;
	[tilespmem:$0x1E200] =	vst v63  }
0x5a: {  	_ =	swait.ge [sflag:s21], $0x5000  }
0x5b: {  	[sflag:s21] =	ssyncset.done $0x0  }
0x5c: {  	[sflag:s21] =	ssyncadd.s32 $0xFFFFB000  }
0x5d: {  	[hbm4b:s13+s4] =	stream.linear.scatter [tilespmem:s20], [sflag:$0x3], $0x5000, $0x38;
	[tilespmem:$0x1E200] =	vst v63  }
0x5e: {  	_ =	swait.ge [sflag:s21], $0x5000  }
0x5f: {  	[sflag:s21] =	ssyncset.done $0x0  }
0x60: {  	[sflag:s21] =	ssyncadd.s32 $0xFFFFB000  }
0x61: {  	[tilespmem:s20], [sflag:$0x3] =	stream.linear.gather [spmem:s8], $0x5000, $0x38;
	[tilespmem:$0x1E200] =	vst v63  }
0x62: {  	_ =	swait.ge [sflag:s21], $0x5000  }
0x63: {  	[sflag:s21] =	ssyncset.done $0x0  }
0x64: {  	[sflag:s21] =	ssyncadd.s32 $0xFFFFB000  }
0x65: {  	[hbm4b:s14+s4] =	stream.linear.scatter [tilespmem:s20], [sflag:$0x3], $0x5000, $0x38;
	[tilespmem:$0x1E200] =	vst v63  }
0x66: {  	_ =	swait.ge [sflag:s21], $0x5000  }
0x67: {  	[sflag:s21] =	ssyncset.done $0x0  }
0x68: {  	[sflag:s21] =	ssyncadd.s32 $0xFFFFB000  }
0x69: {  	[tilespmem:s20], [sflag:$0x3] =	stream.linear.gather [spmem:s9], $0x5000, $0x38;
	[tilespmem:$0x1E200] =	vst v63  }
0x6a: {  	_ =	swait.ge [sflag:s21], $0x5000  }
0x6b: {  	[sflag:s21] =	ssyncset.done $0x0  }
0x6c: {  	[sflag:s21] =	ssyncadd.s32 $0xFFFFB000  }
0x6d: {  	[hbm4b:s15+s4] =	stream.linear.scatter [tilespmem:s20], [sflag:$0x3], $0x5000, $0x38;
	[tilespmem:$0x1E200] =	vst v63  }
0x6e: {  	_ =	swait.ge [sflag:s21], $0x5000  }
0x6f: {  	[sflag:s21] =	ssyncset.done $0x0  }
0x70: {  	[sflag:s21] =	ssyncadd.s32 $0xFFFFB000  }
0x71: {  	[tilespmem:s20], [sflag:$0x3] =	stream.linear.gather [spmem:s10], $0x4800, $0x38;
	[tilespmem:$0x1E200] =	vst v63  }
0x72: {  	s25 =	sadd.s32 $0x1, s25;
	_ =	swait.ge [sflag:s21], $0x4800  }
0x73: {  	p0 =	sne.s32 s25, s17;
	[sflag:s21] =	ssyncset.done $0x0  }
.Ltmp2:
0x74: {  	[sflag:s21] =	ssyncadd.s32 $0xFFFFB800;
	(pc) =	sbr.rel @p0 .LBB2_1-.Ltmp2, $4  }
0x75: {  	[hbm4b:s16+s4] =	stream.linear.scatter [tilespmem:s20], [sflag:$0x3], $0x4800, $0x38;
	[tilespmem:$0x1E200] =	vst v63  }
0x76: {  	_ =	swait.ge [sflag:s21], $0x4800  }
0x77: {  	[sflag:s21] =	ssyncset.done $0x0  }
0x78: {  	[sflag:s21] =	ssyncadd.s32 $0xFFFFB800  }
0x79: {  	_ =	sfence.sel $0x180000  }
0x7a: {  	[bflag:$0x0] =	sbarrier.arrive $0xFFFF  }
0x7b: {  	p0 =	sne.s32 s0, $0x0;
	_ =	strace $0x9000004A  }
0x7c: {  	s0 =	sadd.s32 @!p0 $0x100000, s1;
	[bflag:$0x2] =	sbarrier.arrive $0xFFFF  }
0x7d: {  	[sflag:s0] =	ssyncadd.tile.s32 @!p0 $0x1;
	_ =	shalt  }
.Lfunc_end2:
_tile_overlayer_lowered:
.L_overlay_start_2:
0x7e: {  	(tag) =	ssettag $0x2  }
0x7f: {  	s0 =	rddreg [dreg:$0x0];
	s2 =	stileid.u32  }
0x80: {  	s1 =	rddreg [dreg:$0x1];
	p0 =	sne.s32 s2, $0x0  }
0x81: {  	s3 =	rddreg [dreg:$0x2];
	[bflag:$0x3] =	sbarrier.arrive $0xFFFF;
	s2 =	simm.s32 @!p0 $0x1C03  }
0x82: {  	[timem:s3], [sflag:s2] =	dma.local @!p0 [hbm:s0], s1  }
0x83: {  	s0 =	simm.s32 @!p0 $0x3  }
0x84: {  	_ =	swait.ge @!p0 [sflag:s0], s1  }
0x85: {  	s1 =	ssub.s32 @!p0 $0x0, s1;
	[sflag:s0] =	ssyncset.done @!p0 $0x0  }
0x86: {  	[sflag:s0] =	ssyncadd.s32 @!p0 s1  }
0x87: {  	[bflag:$0x3] =	sbarrier.arrive $0xFFFF  }
0x88: {  	_ =	shalt  }

// kernel: kernel.14.cloned.1.call-start
scs
__scs_entry_jumppad:
0x0: {  	(pc) =	sbr.rel $0x88, $3  }
0x1: {  	(tag) =	ssettag $0x0;
	lr =	simm.s32 $0x1  }
0x2: {  	[smem:$0x3F9B] =	sst lr;
	_ =	strace $0xD0000000  }
0x3: {  	_ = 	snop  }
0x4: {  	_ = 	snop  }
0x5: {  	_ = 	snop  }
0x6: {  	_ = 	snop  }
0x7: {  	_ = 	snop  }
__scs_overlays_trampoline_lowered:
0x8: {  	[smem:$0x3FAA] =	sst s0  }
0x9: {  	[smem:$0x3FAB] =	sst s1  }
0xa: {  	[smem:$0x3FAC] =	sst s2  }
0xb: {  	[smem:$0x3FAD] =	sst s3  }
0xc: {  	[smem:$0x3FAE] =	sst s4  }
0xd: {  	[smem:$0x3FAF] =	sst s5  }
0xe: {  	[smem:$0x3FB0] =	sst s6  }
0xf: {  	[smem:$0x3FB1] =	sst s7  }
0x10: {  	[smem:$0x3FB2] =	sst s8  }
0x11: {  	[smem:$0x3FB3] =	sst s9;
	s0 =	simm.s32 @!p0 $0x0  }
0x12: {  	s1 =	sld [smem:$0x3F99];
	s0 =	simm.s32 @p0 $0x1  }
0x13: {  	[smem:$0x3FB4] =	sst s0;
	s0 =	simm.s32 @!p1 $0x0  }
0x14: {  	s2 =	sld [smem:$0x3F98];
	s0 =	simm.s32 @p1 $0x1  }
0x15: {  	[smem:$0x3FB5] =	sst s0;
	s0 =	simm.s32 @!p2 $0x0  }
0x16: {  	s3 =	sld [smem:$0x3FDB];
	s0 =	simm.s32 @p2 $0x1  }
0x17: {  	s4 =	simm.s32 $0x1BF5;
	[smem:$0x3FB7] =	sst s0  }
0x18: {  	s0 =	sld [smem:$0x3F9A];
	_ =	swait.ge [sflag:s4], $0x0  }
0x19: {  	s7 =	sld [smem:$0x3F9B]  }
0x1a: {  	s8 =	sadd.s32 $0xFFFFE003, lr  }
0x1b: {  	s9 =	sadd.s32 $0xFFFFFEF7, lr;
	s5 =	simm.s32 $0xFFFFFFFF;
	p2 =	slt.u32 s8, $0xFFFFF086  }
0x1c: {  	p1 =	slt.u32 s9, $0xF7A;
	s5 =	simm.s32 @!p2 $0x0  }
0x1d: {  	s5 =	simm.s32 @p1 $0x1;
	p0 =	seq.s32 s7, s2  }
0x1e: {  	s7 =	smul.u32 @!p0 $0xF7A, s2;
	p2 =	seq.s32 @!p0 s5, $0x0  }
0x1f: {  	s9 =	smul.u32 $0xF7A, s1;
	s8 =	simm.s32 @!p0 $0x1BF5;
	p2 =	por !p2, p0  }
0x20: {  	[sflag:s8] =	ssyncset.s32 @!p0 $0xFFFFF086;
	s6 =	sadd.s32 @!p0 s3, s7;
	s7 =	simm.s32 @!p0 $0x108  }
0x21: {  	s3 =	sadd.s32 s3, s9;
	s6 =	sadd.s32 @!p0 $0x88, s6;
	s7 =	simm.s32 @p2 $0x1082  }
0x22: {  	[simem:s7], [sflag:s8] =	dma.local @!p0 [hbm:s6], $0xF7A  }
0x23: {  	s9 =	sor.u32 $0xD0000000, s2;
	s6 =	simm.s32 $0x108;
	_ =	swait.ge @!p0 [sflag:s8], $0x0  }
0x24: {  	s3 =	sadd.s32 $0x88, s3;
	s6 =	simm.s32 @!p1 $0x1082;
	[sflag:s4] =	ssyncset.s32 $0xFFFFF086  }
0x25: {  	[simem:s6], [sflag:s4] =	dma.local [hbm:s3], $0xF7A  }
0x26: {  	[smem:$0x3F9B] =	sst s1;
	(tag) =	ssettag s2;
	_ =	strace s9  }
0x27: {  	s1 =	sld [smem:$0x3FAB]  }
0x28: {  	s2 =	sld [smem:$0x3FAC]  }
0x29: {  	s4 =	sld [smem:$0x3FAE]  }
0x2a: {  	p0 =	seq.s32 s5, $0x0;
	s5 =	sld [smem:$0x3FAF]  }
0x2b: {  	s6 =	sld [smem:$0x3FB0]  }
0x2c: {  	s7 =	sld [smem:$0x3FB1]  }
0x2d: {  	s3 =	simm.s32 $0x108;
	s8 =	sld [smem:$0x3FB2]  }
0x2e: {  	s3 =	simm.s32 @!p0 $0x1082;
	s9 =	sld [smem:$0x3FB3]  }
0x2f: {  	lr =	sadd.s32 s0, s3;
	s0 =	sld [smem:$0x3FAA]  }
0x30: {  	s3 =	sld [smem:$0x3FAD]  }
0x31: {  	[smem:$0x3FB6] =	sst s10  }
0x32: {  	s10 =	sld [smem:$0x3FB4];
	_ =	sdelay $0x3  }
0x33: {  	p0 =	seq.s32 s10, $0x1;
	s10 =	sld [smem:$0x3FB6];
	_ =	sdelay $0x3  }
0x34: {  	[smem:$0x3FB6] =	sst s10  }
0x35: {  	s10 =	sld [smem:$0x3FB5];
	_ =	sdelay $0x3  }
0x36: {  	p1 =	seq.s32 s10, $0x1;
	s10 =	sld [smem:$0x3FB6];
	_ =	sdelay $0x3  }
0x37: {  	[smem:$0x3FB6] =	sst s10  }
0x38: {  	s10 =	sld [smem:$0x3FB7]  }
0x39: {  	_ = 	snop;
	(pc) =	sbr.ind lr, $3  }
0x3a: {  	_ = 	snop  }
0x3b: {  	_ = 	snop  }
0x3c: {  	p2 =	seq.s32 s10, $0x1;
	s10 =	sld [smem:$0x3FB6]  }
0x3d: {  	_ =	shalt  }
0x3e: {  	_ =	shalt  }
0x3f: {  	_ =	shalt  }
0x40: {  	_ =	shalt  }
0x41: {  	_ =	shalt  }
0x42: {  	_ =	shalt  }
0x43: {  	_ =	shalt  }
0x44: {  	_ =	shalt  }
0x45: {  	_ =	shalt  }
0x46: {  	_ =	shalt  }
0x47: {  	_ =	shalt  }
0x48: {  	_ =	shalt  }
0x49: {  	_ =	shalt  }
0x4a: {  	_ =	shalt  }
0x4b: {  	_ =	shalt  }
0x4c: {  	_ =	shalt  }
0x4d: {  	_ =	shalt  }
0x4e: {  	_ =	shalt  }
0x4f: {  	_ =	shalt  }
0x50: {  	_ =	shalt  }
0x51: {  	_ =	shalt  }
0x52: {  	_ =	shalt  }
0x53: {  	_ =	shalt  }
0x54: {  	_ =	shalt  }
0x55: {  	_ =	shalt  }
0x56: {  	_ =	shalt  }
0x57: {  	_ =	shalt  }
0x58: {  	_ =	shalt  }
0x59: {  	_ =	shalt  }
0x5a: {  	_ =	shalt  }
0x5b: {  	_ =	shalt  }
0x5c: {  	_ =	shalt  }
0x5d: {  	_ =	shalt  }
0x5e: {  	_ =	shalt  }
0x5f: {  	_ =	shalt  }
0x60: {  	_ =	shalt  }
0x61: {  	_ =	shalt  }
0x62: {  	_ =	shalt  }
0x63: {  	_ =	shalt  }
0x64: {  	_ =	shalt  }
0x65: {  	_ =	shalt  }
0x66: {  	_ =	shalt  }
0x67: {  	_ =	shalt  }
0x68: {  	_ =	shalt  }
0x69: {  	_ =	shalt  }
0x6a: {  	_ =	shalt  }
0x6b: {  	_ =	shalt  }
0x6c: {  	_ =	shalt  }
0x6d: {  	_ =	shalt  }
0x6e: {  	_ =	shalt  }
0x6f: {  	_ =	shalt  }
0x70: {  	_ =	shalt  }
0x71: {  	_ =	shalt  }
0x72: {  	_ =	shalt  }
0x73: {  	_ =	shalt  }
0x74: {  	_ =	shalt  }
0x75: {  	_ =	shalt  }
0x76: {  	_ =	shalt  }
0x77: {  	_ =	shalt  }
0x78: {  	_ =	shalt  }
0x79: {  	_ =	shalt  }
0x7a: {  	_ =	shalt  }
0x7b: {  	_ =	shalt  }
0x7c: {  	_ =	shalt  }
0x7d: {  	_ =	shalt  }
0x7e: {  	_ =	shalt  }
0x7f: {  	_ =	shalt  }
0x80: {  	_ =	shalt  }
0x81: {  	_ =	shalt  }
0x82: {  	_ =	shalt  }
0x83: {  	_ =	shalt  }
0x84: {  	_ =	shalt  }
0x85: {  	_ =	shalt  }
0x86: {  	_ =	shalt  }
0x87: {  	_ =	shalt  }
.Lfunc_end0:
.L_simem_size_0:
called_computation.2_lowered:
.L_overlay_start_0:
0x88: {  	s2 =	sld [smem:$0x3FD9]  }
0x89: {  	s3 =	sld [smem:$0x3FFE];
	_ =	sdelay $0x1  }
0x8a: {  	s1 =	srdreg.scid  }
0x8b: {  	s0 =	sand.u32 $0x1, s1  }
0x8c: {  	s17 =	sshll.u32 s0, $0xA;
	s2 =	sadd.s32 s3, s2  }
0x8d: {  	s2 =	sadd.s32 s2, s17  }
0x8e: {  	[smem:$0x3FC2] =	sst s2  }
0x8f: {  	_ = 	snop  }
0x90: {  	s2 =	sld [smem:$0x3FD0];
	(tm) =	ssettm $0x1  }
0x91: {  	s18 =	sld [smem:$0x3FFB];
	_ =	sdelay $0x3  }
0x92: {  	_ =	strace s18  }
0x93: {  	s3 =	sld [smem:$0x3FFC];
	_ =	sdelay $0x3  }
0x94: {  	_ =	strace s3  }
0x95: {  	s3 =	sld [smem:$0x3FFD];
	_ =	sdelay $0x3  }
0x96: {  	_ =	strace s3  }
0x97: {  	_ =	strace $0x8FFFFFFF  }
0x98: {  	s19 =	sld [smem:$0x3FDB];
	_ =	sdelay $0x1  }
0x99: {  	s4 =	simm.s32 $_scs_section_size  }
0x9a: {  	s5 =	simm.s32 $_size__tile_overlayer_lowered;
	s6 =	simm.s32 $_tile_overlayer_lowered  }
0x9b: {  	s22 =	simm.s32 $0x1BFF;
	s21 =	sshll.u32 s6, $0x1;
	s3 =	sadd.s32 s4, s19  }
0x9c: {  	s7 =	simm.s32 $0x0;
	s20 =	sshll.u32 s5, $0x1;
	s5 =	sadd.s32 s21, s3  }
0x9d: {  	[timem:s7], [sflag:s22] =	dma.local [hbm:s5], s20  }
0x9e: {  	_ =	swait.ge [sflag:s22], s20  }
0x9f: {  	s4 =	ssub.s32 $0x0, s20;
	[sflag:s22] =	ssyncset.done $0x0  }
0xa0: {  	[sflag:s22] =	ssyncadd.s32 s4;
	_ =	sdelay $0x1  }
0xa1: {  	s23 =	simm.s32 $0x1B8B  }
0xa2: {  	_ =	swait.ge [sflag:s23], $0x1  }
0xa3: {  	[sflag:s23] =	ssyncset.done $0x0  }
0xa4: {  	s25 =	simm.s32 $0x1B8E;
	s24 =	sld [smem:$0x3FFE];
	[sflag:s23] =	ssyncadd.s32 $0xFFFFFFFF  }
0xa5: {  	s26 =	simm.s32 $execute0_lowered;
	[smem:$0x3FD2] =	sst s25  }
0xa6: {  	s5 =	sshll.u32 s26, $0x1;
	_ =	strace $0x8000004C;
	[dreg:$0x1] =	wrdreg $0xFFFFFFFF  }
0xa7: {  	s28 =	simm.s32 $_size_execute0_lowered;
	s3 =	sadd.s32 s3, s5;
	[dreg:$0x0] =	wrdreg $0x0  }
0xa8: {  	s5 =	sshll.u32 s28, $0x1;
	[dreg:$0x2] =	wrdreg s3  }
0xa9: {  	[dreg:$0x3] =	wrdreg s5  }
0xaa: {  	[dreg:$0x4] =	wrdreg $0xC0  }
0xab: {  	_ =	task [dreg:s7], $0x5FFFF  }
0xac: {  	[dreg:$0x1] =	wrdreg $0xFFFFFFFF  }
0xad: {  	[dreg:$0x0] =	wrdreg $0x60  }
0xae: {  	[dreg:$0x2] =	wrdreg s24  }
0xaf: {  	[dreg:$0x3] =	wrdreg s2  }
0xb0: {  	[dreg:$0x4] =	wrdreg $0x32000  }
0xb1: {  	[dreg:$0x5] =	wrdreg $0x9  }
0xb2: {  	_ =	task.clear_ibuf [dreg:s7], $0x6FFFF;
	_ =	strace $0x9000004C  }
0xb3: {  	s29 =	simm.s32 $0x9;
	_ =	strace $0x8000004E  }
0xb4: {  	_ =	swait.ge [sflag:s29], $0x1  }
0xb5: {  	[sflag:s29] =	ssyncadd.s32 $0xFFFFFFFF  }
0xb6: {  	_ =	strace $0x9000004E  }
0xb7: {  	_ =	sfence  }
0xb8: {  	s30 =	sld [smem:$0x0];
	_ =	sdelay $0x2  }
0xb9: {  	s31 =	sshll.u32 s1, $0xD;
	s1 =	sshrl.u32 s1, $0x2  }
0xba: {  	s3 =	sand.u32 $0x4000, s31;
	s1 =	sadd.s32 s1, s30  }
0xbb: {  	s0 =	sor.u32 s3, s0;
	s1 =	sshll.u32 s1, $0x11  }
0xbc: {  	s0 =	sor.u32 s1, s0  }
0xbd: {  	s0 =	sadd.s32 $0x8F2B, s0  }
0xbe: {  	[sflag:s0] =	ssyncadd.remote.s32 $0x1  }
0xbf: {  	_ =	sfence.sel $0xFFFF  }
0xc0: {  	[dreg:$0x0] =	wrdreg $0xFFFFFFFF;
	(pc) =	sbr.abs _section_cstart, $3  }
0xc1: {  	[dreg:$0x1] =	wrdreg $0xFFFFFFFF  }
0xc2: {  	_ =	task.clear_ibuf [dreg:s7], $0x2FFFF;
	_ =	strace $0x9FFFFFFF  }
0xc3: {  	(tm) =	ssettm $0x7FFFFFFF  }
tec
execute0_lowered:
.L_overlay_start_1:
0x0: {  	(tag) =	ssettag $0x1  }
0x1: {  	s6 =	rddreg [dreg:$0x0]  }
0x2: {  	s2 =	rddreg [dreg:$0x1]  }
0x3: {  	s3 =	rddreg [dreg:$0x2]  }
0x4: {  	s0 =	stileid.u32;
	s4 =	srdreg.scid  }
0x5: {  	s1 =	rddreg [dreg:$0x3];
	s22 =	simm.s32 $0x500;
	s23 =	simm.s32 $0x1  }
0x6: {  	s24 =	simm.s32 $0x2;
	s25 =	simm.s32 $0x0;
	s5 =	smul.u32 $0x190, s0  }
0x7: {  	s8 =	sand.u32 $0x1, s4;
	s7 =	smul.u32 $0x4B0, s0;
	s4 =	simm.s32 $0x0  }
0x8: {  	s11 =	smul.u32 $0xC400, s0;
	s16 =	sadd.s32 $0xE8600, s6;
	p0 =	seq.s32 s8, $0x0  }
0x9: {  	[smem:$0x7FF] =	sst s4;
	s30 =	ssub.s32 $0x2, s8;
	s18 =	smul.u32 $0xC4000, s8  }
0xa: {  	s5 =	sadd.s32 $0x4B00, s5;
	_ =	strace $0x8000004D;
	s31 =	sshrl.u32 s30, $0x1  }
0xb: {  	s12 =	sadd.s32 $0x2800, s11;
	s14 =	sadd.s32 $0x5000, s11;
	s15 =	sadd.s32 $0x7800, s11  }
0xc: {  	s20 =	sadd.s32 $0xA000, s11;
	s5 =	smov.u32 @p0 s7;
	s17 =	ssub.s32 s30, s31  }
0xd: {  	s8 =	sadd.s32 s14, s3;
	s9 =	sadd.s32 s15, s3;
	s10 =	sadd.s32 s20, s3  }
0xe: {  	s13 =	sadd.s32 s11, s18;
	s14 =	sadd.s32 s18, s14;
	s15 =	sadd.s32 s18, s15  }
0xf: {  	s7 =	sshll.u32 s5, $0x4;
	s5 =	sadd.s32 $0xCFE00, s6;
	s13 =	sshrl.u32 s13, $0x3  }
0x10: {  	s14 =	sshrl.u32 s14, $0x3;
	s15 =	sshrl.u32 s15, $0x3;
	s17 =	smax.u32 s17, $0x1  }
0x11: {  	s19 =	sadd.s32 s7, s6;
	s6 =	sadd.s32 s11, s3;
	s7 =	sadd.s32 s12, s3  }
0x12: {  	s12 =	sadd.s32 s18, s12;
	s11 =	simm.s32 $0x78;
	s18 =	sadd.s32 s18, s20  }
0x13: {  	s14 =	sadd.s32 s16, s14;
	s15 =	sadd.s32 s16, s15;
	s20 =	simm.s32 $0xA00  }
0x14: {  	s21 =	sshrl.u32 s12, $0x3;
	s11 =	simm.s32 @!p0 $0x28;
	s18 =	sshrl.u32 s18, $0x3  }
0x15: {  	s12 =	sadd.s32 s16, s13;
	s13 =	sadd.s32 s16, s21;
	s16 =	sadd.s32 s16, s18  }
0x16: {  	s18 =	sadd.s32 $0x6BE00, s19;
	s19 =	sadd.s32 $0x1A00, s19;
	s21 =	simm.s32 $0x3  }
.LBB2_1:
0x17: {  	[tilespmem:s20], [sflag:$0x3] =	stream.linear.gather [hbm4b:s2+s4], $0x2800, $0x38;
	[tilespmem:$0xF600] =	vst v63  }
0x18: {  	_ =	swait.ge [sflag:s21], $0x2800  }
0x19: {  	[sflag:s21] =	ssyncset.done $0x0  }
0x1a: {  	[sflag:s21] =	ssyncadd.s32 $0xFFFFD800  }
0x1b: {  	[spmem:s6] =	stream.linear.scatter [tilespmem:s20], [sflag:$0x3], $0x2800, $0x38;
	[tilespmem:$0xF600] =	vst v63  }
0x1c: {  	_ =	swait.ge [sflag:s21], $0x2800  }
0x1d: {  	[sflag:s21] =	ssyncset.done $0x0  }
0x1e: {  	[sflag:s21] =	ssyncadd.s32 $0xFFFFD800  }
0x1f: {  	[spmem:s7] =	stream.linear.scatter [tilespmem:s20], [sflag:$0x3], $0x2800, $0x38;
	[tilespmem:$0xF600] =	vst v63  }
0x20: {  	_ =	swait.ge [sflag:s21], $0x2800  }
0x21: {  	[sflag:s21] =	ssyncset.done $0x0  }
0x22: {  	[sflag:s21] =	ssyncadd.s32 $0xFFFFD800  }
0x23: {  	[spmem:s8] =	stream.linear.scatter [tilespmem:s20], [sflag:$0x3], $0x2800, $0x38;
	[tilespmem:$0xF600] =	vst v63  }
0x24: {  	_ =	swait.ge [sflag:s21], $0x2800  }
0x25: {  	[sflag:s21] =	ssyncset.done $0x0  }
0x26: {  	[sflag:s21] =	ssyncadd.s32 $0xFFFFD800  }
0x27: {  	[spmem:s9] =	stream.linear.scatter [tilespmem:s20], [sflag:$0x3], $0x2800, $0x38;
	[tilespmem:$0xF600] =	vst v63  }
0x28: {  	_ =	swait.ge [sflag:s21], $0x2800  }
0x29: {  	[sflag:s21] =	ssyncset.done $0x0  }
0x2a: {  	[sflag:s21] =	ssyncadd.s32 $0xFFFFD800  }
0x2b: {  	[spmem:s10] =	stream.linear.scatter [tilespmem:s20], [sflag:$0x3], $0x2400, $0x38;
	[tilespmem:$0xF600] =	vst v63  }
0x2c: {  	_ =	swait.ge [sflag:s21], $0x2400  }
0x2d: {  	[sflag:s21] =	ssyncset.done $0x0  }
0x2e: {  	[sflag:s21] =	ssyncadd.s32 $0xFFFFDC00  }
0x2f: {  	[bflag:$0x0] =	sbarrier.arrive $0xFFFF  }
0x30: {  	[tilespmem:s4], [sflag:$0x3] =	stream.linear.gather [hbm4b:s18+s4], $0x500, $0x38;
	[tilespmem:$0xF600] =	vst v63  }
0x31: {  	_ =	swait.ge [sflag:s21], $0x500  }
0x32: {  	[sflag:s21] =	ssyncset.done $0x0  }
0x33: {  	[sflag:s21] =	ssyncadd.s32 $0xFFFFFB00  }
0x34: {  	[tilespmem:s22], [sflag:$0x3] =	stream.linear.gather [hbm4b:s19+s4], $0x500, $0x38;
	[tilespmem:$0xF600] =	vst v63  }
0x35: {  	_ =	swait.ge [sflag:s21], $0x500  }
0x36: {  	[sflag:s21] =	ssyncset.done $0x0  }
0x37: {  	[sflag:s21] =	ssyncadd.s32 $0xFFFFFB00  }
0x38: {  	[tilespmem:s20], [sflag:$0x1] =	stream.indirect.gather [hbm4b:s5+s22], $0x8, s4, s22, $0xb8;
	[tilespmem:$0xF600] =	vst v63  }
0x39: {  	p0 =	sne.s32 s11, $0x1;
	_ =	swait.ge [sflag:s23], $0x2800  }
.Ltmp0:
0x3a: {  	[sflag:s23] =	ssyncset.done $0x0;
	(pc) =	sbr.rel @!p0 .LBB2_3-.Ltmp0, $4  }
0x3b: {  	[sflag:s23] =	ssyncadd.s32 $0xFFFFD800  }
0x3c: {  	[spmem:s3] =	stream.indirect.scatter.add.f32 [tilespmem:s20], [sflag:$0x2], $0x8, s22, s22, $0xb8;
	[tilespmem:$0xF600] =	vst v63  }
0x3d: {  	s26 =	sadd.s32 $0xFFFFFFFF, s11;
	_ =	swait.ge [sflag:s24], $0x2800  }
0x3e: {  	s28 =	smov.u32 s18;
	s29 =	smov.u32 s19;
	[sflag:s24] =	ssyncset.done $0x0  }
.LBB2_2:
0x3f: {  	[sflag:s24] =	ssyncadd.s32 $0xFFFFD800;
	s28 =	sadd.s32 $0xA0, s28;
	s29 =	sadd.s32 $0xA0, s29  }
0x40: {  	[tilespmem:s4], [sflag:$0x3] =	stream.linear.gather [hbm4b:s28+s4], $0x500, $0x38;
	[tilespmem:$0xF600] =	vst v63  }
0x41: {  	p0 =	sne.s32 s26, $0x1;
	s26 =	sadd.s32 $0xFFFFFFFF, s26;
	_ =	swait.ge [sflag:s21], $0x500  }
0x42: {  	[sflag:s21] =	ssyncset.done $0x0  }
0x43: {  	[sflag:s21] =	ssyncadd.s32 $0xFFFFFB00  }
0x44: {  	[tilespmem:s22], [sflag:$0x3] =	stream.linear.gather [hbm4b:s29+s4], $0x500, $0x38;
	[tilespmem:$0xF600] =	vst v63  }
0x45: {  	_ =	swait.ge [sflag:s21], $0x500  }
0x46: {  	[sflag:s21] =	ssyncset.done $0x0  }
0x47: {  	[sflag:s21] =	ssyncadd.s32 $0xFFFFFB00  }
0x48: {  	[tilespmem:s20], [sflag:$0x1] =	stream.indirect.gather [hbm4b:s5+s22], $0x8, s4, s22, $0xb8;
	[tilespmem:$0xF600] =	vst v63  }
0x49: {  	_ =	swait.ge [sflag:s23], $0x2800  }
.Ltmp1:
0x4a: {  	[sflag:s23] =	ssyncset.done $0x0;
	(pc) =	sbr.rel @p0 .LBB2_2-.Ltmp1, $4  }
0x4b: {  	[sflag:s23] =	ssyncadd.s32 $0xFFFFD800  }
0x4c: {  	[spmem:s3] =	stream.indirect.scatter.add.f32 [tilespmem:s20], [sflag:$0x2], $0x8, s22, s22, $0xb8;
	[tilespmem:$0xF600] =	vst v63  }
0x4d: {  	_ =	swait.ge [sflag:s24], $0x2800  }
0x4e: {  	[sflag:s24] =	ssyncset.done $0x0  }
.LBB2_3:
0x4f: {  	[sflag:s24] =	ssyncadd.s32 $0xFFFFD800  }
0x50: {  	[bflag:$0x0] =	sbarrier.arrive $0xFFFF  }
0x51: {  	[tilespmem:s20], [sflag:$0x3] =	stream.linear.gather [spmem:s6], $0x2800, $0x38;
	[tilespmem:$0xF600] =	vst v63  }
0x52: {  	_ =	swait.ge [sflag:s21], $0x2800  }
0x53: {  	[sflag:s21] =	ssyncset.done $0x0  }
0x54: {  	[sflag:s21] =	ssyncadd.s32 $0xFFFFD800  }
0x55: {  	[hbm4b:s12+s4] =	stream.linear.scatter [tilespmem:s20], [sflag:$0x3], $0x2800, $0x38;
	[tilespmem:$0xF600] =	vst v63  }
0x56: {  	_ =	swait.ge [sflag:s21], $0x2800  }
0x57: {  	[sflag:s21] =	ssyncset.done $0x0  }
0x58: {  	[sflag:s21] =	ssyncadd.s32 $0xFFFFD800  }
0x59: {  	[tilespmem:s20], [sflag:$0x3] =	stream.linear.gather [spmem:s7], $0x2800, $0x38;
	[tilespmem:$0xF600] =	vst v63  }
0x5a: {  	_ =	swait.ge [sflag:s21], $0x2800  }
0x5b: {  	[sflag:s21] =	ssyncset.done $0x0  }
0x5c: {  	[sflag:s21] =	ssyncadd.s32 $0xFFFFD800  }
0x5d: {  	[hbm4b:s13+s4] =	stream.linear.scatter [tilespmem:s20], [sflag:$0x3], $0x2800, $0x38;
	[tilespmem:$0xF600] =	vst v63  }
0x5e: {  	_ =	swait.ge [sflag:s21], $0x2800  }
0x5f: {  	[sflag:s21] =	ssyncset.done $0x0  }
0x60: {  	[sflag:s21] =	ssyncadd.s32 $0xFFFFD800  }
0x61: {  	[tilespmem:s20], [sflag:$0x3] =	stream.linear.gather [spmem:s8], $0x2800, $0x38;
	[tilespmem:$0xF600] =	vst v63  }
0x62: {  	_ =	swait.ge [sflag:s21], $0x2800  }
0x63: {  	[sflag:s21] =	ssyncset.done $0x0  }
0x64: {  	[sflag:s21] =	ssyncadd.s32 $0xFFFFD800  }
0x65: {  	[hbm4b:s14+s4] =	stream.linear.scatter [tilespmem:s20], [sflag:$0x3], $0x2800, $0x38;
	[tilespmem:$0xF600] =	vst v63  }
0x66: {  	_ =	swait.ge [sflag:s21], $0x2800  }
0x67: {  	[sflag:s21] =	ssyncset.done $0x0  }
0x68: {  	[sflag:s21] =	ssyncadd.s32 $0xFFFFD800  }
0x69: {  	[tilespmem:s20], [sflag:$0x3] =	stream.linear.gather [spmem:s9], $0x2800, $0x38;
	[tilespmem:$0xF600] =	vst v63  }
0x6a: {  	_ =	swait.ge [sflag:s21], $0x2800  }
0x6b: {  	[sflag:s21] =	ssyncset.done $0x0  }
0x6c: {  	[sflag:s21] =	ssyncadd.s32 $0xFFFFD800  }
0x6d: {  	[hbm4b:s15+s4] =	stream.linear.scatter [tilespmem:s20], [sflag:$0x3], $0x2800, $0x38;
	[tilespmem:$0xF600] =	vst v63  }
0x6e: {  	_ =	swait.ge [sflag:s21], $0x2800  }
0x6f: {  	[sflag:s21] =	ssyncset.done $0x0  }
0x70: {  	[sflag:s21] =	ssyncadd.s32 $0xFFFFD800  }
0x71: {  	[tilespmem:s20], [sflag:$0x3] =	stream.linear.gather [spmem:s10], $0x2400, $0x38;
	[tilespmem:$0xF600] =	vst v63  }
0x72: {  	s25 =	sadd.s32 $0x1, s25;
	_ =	swait.ge [sflag:s21], $0x2400  }
0x73: {  	p0 =	sne.s32 s25, s17;
	[sflag:s21] =	ssyncset.done $0x0  }
.Ltmp2:
0x74: {  	[sflag:s21] =	ssyncadd.s32 $0xFFFFDC00;
	(pc) =	sbr.rel @p0 .LBB2_1-.Ltmp2, $4  }
0x75: {  	[hbm4b:s16+s4] =	stream.linear.scatter [tilespmem:s20], [sflag:$0x3], $0x2400, $0x38;
	[tilespmem:$0xF600] =	vst v63  }
0x76: {  	_ =	swait.ge [sflag:s21], $0x2400  }
0x77: {  	[sflag:s21] =	ssyncset.done $0x0  }
0x78: {  	[sflag:s21] =	ssyncadd.s32 $0xFFFFDC00  }
0x79: {  	_ =	sfence.sel $0x180000  }
0x7a: {  	[bflag:$0x0] =	sbarrier.arrive $0xFFFF  }
0x7b: {  	p0 =	sne.s32 s0, $0x0;
	_ =	strace $0x9000004D  }
0x7c: {  	s0 =	sadd.s32 @!p0 $0x100000, s1;
	[bflag:$0x2] =	sbarrier.arrive $0xFFFF  }
0x7d: {  	[sflag:s0] =	ssyncadd.tile.s32 @!p0 $0x1;
	_ =	shalt  }
.Lfunc_end2:
_tile_overlayer_lowered:
.L_overlay_start_2:
0x7e: {  	(tag) =	ssettag $0x2  }
0x7f: {  	s0 =	rddreg [dreg:$0x0];
	s2 =	stileid.u32  }
0x80: {  	s1 =	rddreg [dreg:$0x1];
	p0 =	sne.s32 s2, $0x0  }
0x81: {  	s3 =	rddreg [dreg:$0x2];
	[bflag:$0x3] =	sbarrier.arrive $0xFFFF;
	s2 =	simm.s32 @!p0 $0x1C03  }
0x82: {  	[timem:s3], [sflag:s2] =	dma.local @!p0 [hbm:s0], s1  }
0x83: {  	s0 =	simm.s32 @!p0 $0x3  }
0x84: {  	_ =	swait.ge @!p0 [sflag:s0], s1  }
0x85: {  	s1 =	ssub.s32 @!p0 $0x0, s1;
	[sflag:s0] =	ssyncset.done @!p0 $0x0  }
0x86: {  	[sflag:s0] =	ssyncadd.s32 @!p0 s1  }
0x87: {  	[bflag:$0x3] =	sbarrier.arrive $0xFFFF  }
0x88: {  	_ =	shalt  }

// kernel: kernel.8.cloned.1.call-start
scs
__scs_entry_jumppad:
0x0: {  	(pc) =	sbr.rel $0x88, $3  }
0x1: {  	(tag) =	ssettag $0x0;
	lr =	simm.s32 $0x1  }
0x2: {  	[smem:$0x3F9B] =	sst lr;
	_ =	strace $0xD0000000  }
0x3: {  	_ = 	snop  }
0x4: {  	_ = 	snop  }
0x5: {  	_ = 	snop  }
0x6: {  	_ = 	snop  }
0x7: {  	_ = 	snop  }
__scs_overlays_trampoline_lowered:
0x8: {  	[smem:$0x3FAA] =	sst s0  }
0x9: {  	[smem:$0x3FAB] =	sst s1  }
0xa: {  	[smem:$0x3FAC] =	sst s2  }
0xb: {  	[smem:$0x3FAD] =	sst s3  }
0xc: {  	[smem:$0x3FAE] =	sst s4  }
0xd: {  	[smem:$0x3FAF] =	sst s5  }
0xe: {  	[smem:$0x3FB0] =	sst s6  }
0xf: {  	[smem:$0x3FB1] =	sst s7  }
0x10: {  	[smem:$0x3FB2] =	sst s8  }
0x11: {  	[smem:$0x3FB3] =	sst s9;
	s0 =	simm.s32 @!p0 $0x0  }
0x12: {  	s1 =	sld [smem:$0x3F99];
	s0 =	simm.s32 @p0 $0x1  }
0x13: {  	[smem:$0x3FB4] =	sst s0;
	s0 =	simm.s32 @!p1 $0x0  }
0x14: {  	s2 =	sld [smem:$0x3F98];
	s0 =	simm.s32 @p1 $0x1  }
0x15: {  	[smem:$0x3FB5] =	sst s0;
	s0 =	simm.s32 @!p2 $0x0  }
0x16: {  	s3 =	sld [smem:$0x3FDB];
	s0 =	simm.s32 @p2 $0x1  }
0x17: {  	s4 =	simm.s32 $0x1BF5;
	[smem:$0x3FB7] =	sst s0  }
0x18: {  	s0 =	sld [smem:$0x3F9A];
	_ =	swait.ge [sflag:s4], $0x0  }
0x19: {  	s7 =	sld [smem:$0x3F9B]  }
0x1a: {  	s8 =	sadd.s32 $0xFFFFE003, lr  }
0x1b: {  	s9 =	sadd.s32 $0xFFFFFEF7, lr;
	s5 =	simm.s32 $0xFFFFFFFF;
	p2 =	slt.u32 s8, $0xFFFFF086  }
0x1c: {  	p1 =	slt.u32 s9, $0xF7A;
	s5 =	simm.s32 @!p2 $0x0  }
0x1d: {  	s5 =	simm.s32 @p1 $0x1;
	p0 =	seq.s32 s7, s2  }
0x1e: {  	s7 =	smul.u32 @!p0 $0xF7A, s2;
	p2 =	seq.s32 @!p0 s5, $0x0  }
0x1f: {  	s9 =	smul.u32 $0xF7A, s1;
	s8 =	simm.s32 @!p0 $0x1BF5;
	p2 =	por !p2, p0  }
0x20: {  	[sflag:s8] =	ssyncset.s32 @!p0 $0xFFFFF086;
	s6 =	sadd.s32 @!p0 s3, s7;
	s7 =	simm.s32 @!p0 $0x108  }
0x21: {  	s3 =	sadd.s32 s3, s9;
	s6 =	sadd.s32 @!p0 $0x88, s6;
	s7 =	simm.s32 @p2 $0x1082  }
0x22: {  	[simem:s7], [sflag:s8] =	dma.local @!p0 [hbm:s6], $0xF7A  }
0x23: {  	s9 =	sor.u32 $0xD0000000, s2;
	s6 =	simm.s32 $0x108;
	_ =	swait.ge @!p0 [sflag:s8], $0x0  }
0x24: {  	s3 =	sadd.s32 $0x88, s3;
	s6 =	simm.s32 @!p1 $0x1082;
	[sflag:s4] =	ssyncset.s32 $0xFFFFF086  }
0x25: {  	[simem:s6], [sflag:s4] =	dma.local [hbm:s3], $0xF7A  }
0x26: {  	[smem:$0x3F9B] =	sst s1;
	(tag) =	ssettag s2;
	_ =	strace s9  }
0x27: {  	s1 =	sld [smem:$0x3FAB]  }
0x28: {  	s2 =	sld [smem:$0x3FAC]  }
0x29: {  	s4 =	sld [smem:$0x3FAE]  }
0x2a: {  	p0 =	seq.s32 s5, $0x0;
	s5 =	sld [smem:$0x3FAF]  }
0x2b: {  	s6 =	sld [smem:$0x3FB0]  }
0x2c: {  	s7 =	sld [smem:$0x3FB1]  }
0x2d: {  	s3 =	simm.s32 $0x108;
	s8 =	sld [smem:$0x3FB2]  }
0x2e: {  	s3 =	simm.s32 @!p0 $0x1082;
	s9 =	sld [smem:$0x3FB3]  }
0x2f: {  	lr =	sadd.s32 s0, s3;
	s0 =	sld [smem:$0x3FAA]  }
0x30: {  	s3 =	sld [smem:$0x3FAD]  }
0x31: {  	[smem:$0x3FB6] =	sst s10  }
0x32: {  	s10 =	sld [smem:$0x3FB4];
	_ =	sdelay $0x3  }
0x33: {  	p0 =	seq.s32 s10, $0x1;
	s10 =	sld [smem:$0x3FB6];
	_ =	sdelay $0x3  }
0x34: {  	[smem:$0x3FB6] =	sst s10  }
0x35: {  	s10 =	sld [smem:$0x3FB5];
	_ =	sdelay $0x3  }
0x36: {  	p1 =	seq.s32 s10, $0x1;
	s10 =	sld [smem:$0x3FB6];
	_ =	sdelay $0x3  }
0x37: {  	[smem:$0x3FB6] =	sst s10  }
0x38: {  	s10 =	sld [smem:$0x3FB7]  }
0x39: {  	_ = 	snop;
	(pc) =	sbr.ind lr, $3  }
0x3a: {  	_ = 	snop  }
0x3b: {  	_ = 	snop  }
0x3c: {  	p2 =	seq.s32 s10, $0x1;
	s10 =	sld [smem:$0x3FB6]  }
0x3d: {  	_ =	shalt  }
0x3e: {  	_ =	shalt  }
0x3f: {  	_ =	shalt  }
0x40: {  	_ =	shalt  }
0x41: {  	_ =	shalt  }
0x42: {  	_ =	shalt  }
0x43: {  	_ =	shalt  }
0x44: {  	_ =	shalt  }
0x45: {  	_ =	shalt  }
0x46: {  	_ =	shalt  }
0x47: {  	_ =	shalt  }
0x48: {  	_ =	shalt  }
0x49: {  	_ =	shalt  }
0x4a: {  	_ =	shalt  }
0x4b: {  	_ =	shalt  }
0x4c: {  	_ =	shalt  }
0x4d: {  	_ =	shalt  }
0x4e: {  	_ =	shalt  }
0x4f: {  	_ =	shalt  }
0x50: {  	_ =	shalt  }
0x51: {  	_ =	shalt  }
0x52: {  	_ =	shalt  }
0x53: {  	_ =	shalt  }
0x54: {  	_ =	shalt  }
0x55: {  	_ =	shalt  }
0x56: {  	_ =	shalt  }
0x57: {  	_ =	shalt  }
0x58: {  	_ =	shalt  }
0x59: {  	_ =	shalt  }
0x5a: {  	_ =	shalt  }
0x5b: {  	_ =	shalt  }
0x5c: {  	_ =	shalt  }
0x5d: {  	_ =	shalt  }
0x5e: {  	_ =	shalt  }
0x5f: {  	_ =	shalt  }
0x60: {  	_ =	shalt  }
0x61: {  	_ =	shalt  }
0x62: {  	_ =	shalt  }
0x63: {  	_ =	shalt  }
0x64: {  	_ =	shalt  }
0x65: {  	_ =	shalt  }
0x66: {  	_ =	shalt  }
0x67: {  	_ =	shalt  }
0x68: {  	_ =	shalt  }
0x69: {  	_ =	shalt  }
0x6a: {  	_ =	shalt  }
0x6b: {  	_ =	shalt  }
0x6c: {  	_ =	shalt  }
0x6d: {  	_ =	shalt  }
0x6e: {  	_ =	shalt  }
0x6f: {  	_ =	shalt  }
0x70: {  	_ =	shalt  }
0x71: {  	_ =	shalt  }
0x72: {  	_ =	shalt  }
0x73: {  	_ =	shalt  }
0x74: {  	_ =	shalt  }
0x75: {  	_ =	shalt  }
0x76: {  	_ =	shalt  }
0x77: {  	_ =	shalt  }
0x78: {  	_ =	shalt  }
0x79: {  	_ =	shalt  }
0x7a: {  	_ =	shalt  }
0x7b: {  	_ =	shalt  }
0x7c: {  	_ =	shalt  }
0x7d: {  	_ =	shalt  }
0x7e: {  	_ =	shalt  }
0x7f: {  	_ =	shalt  }
0x80: {  	_ =	shalt  }
0x81: {  	_ =	shalt  }
0x82: {  	_ =	shalt  }
0x83: {  	_ =	shalt  }
0x84: {  	_ =	shalt  }
0x85: {  	_ =	shalt  }
0x86: {  	_ =	shalt  }
0x87: {  	_ =	shalt  }
.Lfunc_end0:
.L_simem_size_0:
called_computation_lowered:
.L_overlay_start_0:
0x88: {  	s2 =	sld [smem:$0x3FD9]  }
0x89: {  	s3 =	sld [smem:$0x3FFE];
	_ =	sdelay $0x1  }
0x8a: {  	s1 =	srdreg.scid  }
0x8b: {  	s0 =	sand.u32 $0x1, s1  }
0x8c: {  	s17 =	sshll.u32 s0, $0xA;
	s2 =	sadd.s32 s3, s2  }
0x8d: {  	s2 =	sadd.s32 s2, s17  }
0x8e: {  	[smem:$0x3FC2] =	sst s2  }
0x8f: {  	_ = 	snop  }
0x90: {  	s2 =	sld [smem:$0x3FD0];
	(tm) =	ssettm $0x1  }
0x91: {  	s18 =	sld [smem:$0x3FFB];
	_ =	sdelay $0x3  }
0x92: {  	_ =	strace s18  }
0x93: {  	s3 =	sld [smem:$0x3FFC];
	_ =	sdelay $0x3  }
0x94: {  	_ =	strace s3  }
0x95: {  	s3 =	sld [smem:$0x3FFD];
	_ =	sdelay $0x3  }
0x96: {  	_ =	strace s3  }
0x97: {  	_ =	strace $0x8FFFFFFF  }
0x98: {  	s19 =	sld [smem:$0x3FDB];
	_ =	sdelay $0x1  }
0x99: {  	s4 =	simm.s32 $_scs_section_size  }
0x9a: {  	s5 =	simm.s32 $_size__tile_overlayer_lowered;
	s6 =	simm.s32 $_tile_overlayer_lowered  }
0x9b: {  	s22 =	simm.s32 $0x1BFF;
	s21 =	sshll.u32 s6, $0x1;
	s3 =	sadd.s32 s4, s19  }
0x9c: {  	s7 =	simm.s32 $0x0;
	s20 =	sshll.u32 s5, $0x1;
	s5 =	sadd.s32 s21, s3  }
0x9d: {  	[timem:s7], [sflag:s22] =	dma.local [hbm:s5], s20  }
0x9e: {  	_ =	swait.ge [sflag:s22], s20  }
0x9f: {  	s4 =	ssub.s32 $0x0, s20;
	[sflag:s22] =	ssyncset.done $0x0  }
0xa0: {  	[sflag:s22] =	ssyncadd.s32 s4;
	_ =	sdelay $0x1  }
0xa1: {  	s23 =	simm.s32 $0x1B8B  }
0xa2: {  	_ =	swait.ge [sflag:s23], $0x1  }
0xa3: {  	[sflag:s23] =	ssyncset.done $0x0  }
0xa4: {  	s25 =	simm.s32 $0x1B8E;
	s24 =	sld [smem:$0x3FFE];
	[sflag:s23] =	ssyncadd.s32 $0xFFFFFFFF  }
0xa5: {  	s26 =	simm.s32 $execute0_lowered;
	[smem:$0x3FD2] =	sst s25  }
0xa6: {  	s5 =	sshll.u32 s26, $0x1;
	_ =	strace $0x80000046;
	[dreg:$0x1] =	wrdreg $0xFFFFFFFF  }
0xa7: {  	s28 =	simm.s32 $_size_execute0_lowered;
	s3 =	sadd.s32 s3, s5;
	[dreg:$0x0] =	wrdreg $0x0  }
0xa8: {  	s5 =	sshll.u32 s28, $0x1;
	[dreg:$0x2] =	wrdreg s3  }
0xa9: {  	[dreg:$0x3] =	wrdreg s5  }
0xaa: {  	[dreg:$0x4] =	wrdreg $0xC0  }
0xab: {  	_ =	task [dreg:s7], $0x5FFFF  }
0xac: {  	[dreg:$0x1] =	wrdreg $0xFFFFFFFF  }
0xad: {  	[dreg:$0x0] =	wrdreg $0x60  }
0xae: {  	[dreg:$0x2] =	wrdreg s24  }
0xaf: {  	[dreg:$0x3] =	wrdreg s2  }
0xb0: {  	[dreg:$0x4] =	wrdreg $0x22800  }
0xb1: {  	[dreg:$0x5] =	wrdreg $0x9  }
0xb2: {  	_ =	task.clear_ibuf [dreg:s7], $0x6FFFF;
	_ =	strace $0x90000046  }
0xb3: {  	s29 =	simm.s32 $0x9;
	_ =	strace $0x80000048  }
0xb4: {  	_ =	swait.ge [sflag:s29], $0x1  }
0xb5: {  	[sflag:s29] =	ssyncadd.s32 $0xFFFFFFFF  }
0xb6: {  	_ =	strace $0x90000048  }
0xb7: {  	_ =	sfence  }
0xb8: {  	s30 =	sld [smem:$0x0];
	_ =	sdelay $0x2  }
0xb9: {  	s31 =	sshll.u32 s1, $0xD;
	s1 =	sshrl.u32 s1, $0x2  }
0xba: {  	s3 =	sand.u32 $0x4000, s31;
	s1 =	sadd.s32 s1, s30  }
0xbb: {  	s0 =	sor.u32 s3, s0;
	s1 =	sshll.u32 s1, $0x11  }
0xbc: {  	s0 =	sor.u32 s1, s0  }
0xbd: {  	s0 =	sadd.s32 $0x8F2B, s0  }
0xbe: {  	[sflag:s0] =	ssyncadd.remote.s32 $0x1  }
0xbf: {  	_ =	sfence.sel $0xFFFF  }
0xc0: {  	[dreg:$0x0] =	wrdreg $0xFFFFFFFF;
	(pc) =	sbr.abs _section_cstart, $3  }
0xc1: {  	[dreg:$0x1] =	wrdreg $0xFFFFFFFF  }
0xc2: {  	_ =	task.clear_ibuf [dreg:s7], $0x2FFFF;
	_ =	strace $0x9FFFFFFF  }
0xc3: {  	(tm) =	ssettm $0x7FFFFFFF  }
tec
execute0_lowered:
.L_overlay_start_1:
0x0: {  	(tag) =	ssettag $0x1  }
0x1: {  	s6 =	rddreg [dreg:$0x0]  }
0x2: {  	s2 =	rddreg [dreg:$0x1]  }
0x3: {  	s3 =	rddreg [dreg:$0x2];
	s1 =	stileid.u32  }
0x4: {  	s0 =	rddreg [dreg:$0x3];
	s7 =	srdreg.scid;
	s4 =	simm.s32 $0x0  }
0x5: {  	s12 =	simm.s32 $0x2;
	s13 =	simm.s32 $0xA00;
	s5 =	smul.u32 $0x4B0, s1  }
0x6: {  	s14 =	simm.s32 $0x1;
	s15 =	simm.s32 $0x0;
	s8 =	smul.u32 $0x190, s1  }
0x7: {  	s7 =	sand.u32 $0x1, s7;
	s9 =	smul.u32 $0x1880, s1;
	[smem:$0x7FF] =	sst s4  }
0x8: {  	p0 =	seq.s32 s7, $0x0;
	s10 =	smul.u32 $0x18800, s7;
	s7 =	ssub.s32 $0x2, s7  }
0x9: {  	_ =	strace $0x80000047;
	s8 =	sadd.s32 $0x4B00, s8;
	s31 =	sshrl.u32 s7, $0x1  }
0xa: {  	s8 =	smov.u32 @p0 s5;
	s29 =	sadd.s32 s9, s10;
	s11 =	ssub.s32 s7, s31  }
0xb: {  	s7 =	simm.s32 $0x78;
	s5 =	sshll.u32 s8, $0x4;
	s8 =	sshrl.u32 s29, $0x3  }
0xc: {  	s7 =	simm.s32 @!p0 $0x28;
	s30 =	sadd.s32 s5, s6;
	s5 =	sadd.s32 $0x65A00, s6  }
0xd: {  	s8 =	sadd.s32 s8, s6;
	s6 =	sadd.s32 s9, s3;
	s9 =	smax.u32 s11, $0x1  }
0xe: {  	s11 =	simm.s32 $0x500;
	s8 =	sadd.s32 $0x65C00, s8;
	s10 =	sadd.s32 $0x1A00, s30  }
.LBB2_1:
0xf: {  	[tilespmem:s11], [sflag:$0x2] =	stream.linear.gather [hbm4b:s5+s4], $0x500, $0x38;
	[tilespmem:$0x3B00] =	vst v63  }
0x10: {  	_ =	swait.ge [sflag:s12], $0x500  }
0x11: {  	[sflag:s12] =	ssyncset.done $0x0  }
0x12: {  	[sflag:s12] =	ssyncadd.s32 $0xFFFFFB00  }
0x13: {  	[tilespmem:s13], [sflag:$0x2] =	stream.linear.gather [hbm4b:s2+s4], $0x1880, $0x38;
	[tilespmem:$0x3B00] =	vst v63  }
0x14: {  	_ =	swait.ge [sflag:s12], $0x1880  }
0x15: {  	[sflag:s12] =	ssyncset.done $0x0  }
0x16: {  	[sflag:s12] =	ssyncadd.s32 $0xFFFFE780  }
0x17: {  	[spmem:s6] =	stream.linear.scatter [tilespmem:s13], [sflag:$0x2], $0x1880, $0x38;
	[tilespmem:$0x3B00] =	vst v63  }
0x18: {  	_ =	swait.ge [sflag:s12], $0x1880  }
0x19: {  	[sflag:s12] =	ssyncset.done $0x0  }
0x1a: {  	[sflag:s12] =	ssyncadd.s32 $0xFFFFE780  }
0x1b: {  	[bflag:$0x0] =	sbarrier.arrive $0xFFFF  }
0x1c: {  	[tilespmem:s4], [sflag:$0x2] =	stream.linear.gather [hbm4b:s10+s4], $0x500, $0x38;
	[tilespmem:$0x3B00] =	vst v63  }
0x1d: {  	p0 =	sne.s32 s7, $0x1;
	_ =	swait.ge [sflag:s12], $0x500  }
.Ltmp0:
0x1e: {  	[sflag:s12] =	ssyncset.done $0x0;
	(pc) =	sbr.rel @!p0 .LBB2_3-.Ltmp0, $4  }
0x1f: {  	[sflag:s12] =	ssyncadd.s32 $0xFFFFFB00  }
0x20: {  	[spmem:s3] =	stream.indirect.scatter.add.f32 [tilespmem:s11], [sflag:$0x1], $0x1, s4, s11, $0xb8;
	[tilespmem:$0x3B00] =	vst v63  }
0x21: {  	_ =	swait.ge [sflag:s14], $0x500  }
0x22: {  	s16 =	sadd.s32 $0xFFFFFFFF, s7;
	s17 =	smov.u32 s10;
	[sflag:s14] =	ssyncset.done $0x0  }
.LBB2_2:
0x23: {  	p0 =	sne.s32 s16, $0x1;
	[sflag:s14] =	ssyncadd.s32 $0xFFFFFB00;
	s17 =	sadd.s32 $0xA0, s17  }
0x24: {  	[tilespmem:s4], [sflag:$0x2] =	stream.linear.gather [hbm4b:s17+s4], $0x500, $0x38;
	[tilespmem:$0x3B00] =	vst v63  }
0x25: {  	s16 =	sadd.s32 $0xFFFFFFFF, s16;
	_ =	swait.ge [sflag:s12], $0x500  }
.Ltmp1:
0x26: {  	[sflag:s12] =	ssyncset.done $0x0;
	(pc) =	sbr.rel @p0 .LBB2_2-.Ltmp1, $4  }
0x27: {  	[sflag:s12] =	ssyncadd.s32 $0xFFFFFB00  }
0x28: {  	[spmem:s3] =	stream.indirect.scatter.add.f32 [tilespmem:s11], [sflag:$0x1], $0x1, s4, s11, $0xb8;
	[tilespmem:$0x3B00] =	vst v63  }
0x29: {  	_ =	swait.ge [sflag:s14], $0x500  }
0x2a: {  	[sflag:s14] =	ssyncset.done $0x0  }
.LBB2_3:
0x2b: {  	[sflag:s14] =	ssyncadd.s32 $0xFFFFFB00  }
0x2c: {  	[bflag:$0x0] =	sbarrier.arrive $0xFFFF  }
0x2d: {  	[tilespmem:s13], [sflag:$0x2] =	stream.linear.gather [spmem:s6], $0x1880, $0x38;
	[tilespmem:$0x3B00] =	vst v63  }
0x2e: {  	s15 =	sadd.s32 $0x1, s15;
	_ =	swait.ge [sflag:s12], $0x1880  }
0x2f: {  	p0 =	sne.s32 s15, s9;
	[sflag:s12] =	ssyncset.done $0x0  }
.Ltmp2:
0x30: {  	[sflag:s12] =	ssyncadd.s32 $0xFFFFE780;
	(pc) =	sbr.rel @p0 .LBB2_1-.Ltmp2, $4  }
0x31: {  	[hbm4b:s8+s4] =	stream.linear.scatter [tilespmem:s13], [sflag:$0x2], $0x1880, $0x38;
	[tilespmem:$0x3B00] =	vst v63  }
0x32: {  	_ =	swait.ge [sflag:s12], $0x1880  }
0x33: {  	[sflag:s12] =	ssyncset.done $0x0  }
0x34: {  	[sflag:s12] =	ssyncadd.s32 $0xFFFFE780  }
0x35: {  	_ =	sfence.sel $0x180000  }
0x36: {  	[bflag:$0x0] =	sbarrier.arrive $0xFFFF  }
0x37: {  	p0 =	sne.s32 s1, $0x0;
	_ =	strace $0x90000047  }
0x38: {  	s0 =	sadd.s32 @!p0 $0x100000, s0;
	[bflag:$0x2] =	sbarrier.arrive $0xFFFF  }
0x39: {  	[sflag:s0] =	ssyncadd.tile.s32 @!p0 $0x1;
	_ =	shalt  }
.Lfunc_end2:
_tile_overlayer_lowered:
.L_overlay_start_2:
0x3a: {  	(tag) =	ssettag $0x2  }
0x3b: {  	s0 =	rddreg [dreg:$0x0];
	s2 =	stileid.u32  }
0x3c: {  	s1 =	rddreg [dreg:$0x1];
	p0 =	sne.s32 s2, $0x0  }
0x3d: {  	s3 =	rddreg [dreg:$0x2];
	[bflag:$0x3] =	sbarrier.arrive $0xFFFF;
	s2 =	simm.s32 @!p0 $0x1C02  }
0x3e: {  	[timem:s3], [sflag:s2] =	dma.local @!p0 [hbm:s0], s1  }
0x3f: {  	s0 =	simm.s32 @!p0 $0x2  }
0x40: {  	_ =	swait.ge @!p0 [sflag:s0], s1  }
0x41: {  	s1 =	ssub.s32 @!p0 $0x0, s1;
	[sflag:s0] =	ssyncset.done @!p0 $0x0  }
0x42: {  	[sflag:s0] =	ssyncadd.s32 @!p0 s1  }
0x43: {  	[bflag:$0x3] =	sbarrier.arrive $0xFFFF  }
0x44: {  	_ =	shalt  }

</sc_bundles>
